<compile_context>
chip_gen: v7x
topology: tpu7x:2x2x1
jax: 0.10.2.dev20260603
libtpu: 0.0.44.dev20260713+nightly
codegen_flags: <defaults>
</compile_context>

<pallas_src>
import functools

import jax
import jax.numpy as jnp
from jax import lax
from jax.experimental import pallas as pl
from jax.experimental.pallas import tpu as pltpu
from jax.experimental.pallas import tpu_sc as plsc

N = 10000
E = 320000
D = 128
C = 16

NC = 2
NS = 16
NW = NC * NS
CH = 128
KJ = -(-E // (NW * CH))
EP = NW * KJ * CH
NP = 10112
RPT = NP // NS

_MESH = plsc.VectorSubcoreMesh(core_axis_name="c", subcore_axis_name="s")


@functools.partial(
    pl.kernel,
    out_type=jax.ShapeDtypeStruct((NC, NP, C), jnp.float32),
    mesh=_MESH,
    scratch_types=[
        pltpu.VMEM((KJ, CH), jnp.int32),
        pltpu.VMEM((CH, C), jnp.float32),
        pltpu.VMEM_SHARED((NP, C), jnp.float32),
    ],
)
def _sc_degree(cidx_hbm, zeros_hbm, ones_hbm, out_hbm, cidx_v, msg_v, acc_sh):
    c = lax.axis_index("c")
    s = lax.axis_index("s")
    w = s * NC + c
    pltpu.sync_copy(cidx_hbm.at[w], cidx_v)
    pltpu.sync_copy(ones_hbm, msg_v)
    rs = s * RPT
    pltpu.sync_copy(zeros_hbm.at[pl.ds(rs, RPT)], acc_sh.at[pl.ds(rs, RPT)])
    plsc.subcore_barrier()

    def body(j, carry):
        pltpu.sync_copy(msg_v, acc_sh.at[cidx_v.at[j]], add=True)
        return carry

    lax.fori_loop(0, KJ, body, 0)
    plsc.subcore_barrier()
    pltpu.sync_copy(acc_sh.at[pl.ds(rs, RPT)], out_hbm.at[c, pl.ds(rs, RPT)])


@functools.partial(
    pl.kernel,
    out_type=jax.ShapeDtypeStruct((NC, NP, C), jnp.float32),
    mesh=_MESH,
    scratch_types=[
        pltpu.VMEM((KJ, CH), jnp.int32),
        pltpu.VMEM((KJ, CH), jnp.int32),
        pltpu.VMEM((CH, C), jnp.float32),
        pltpu.VMEM_SHARED((NP, C), jnp.float32),
        pltpu.VMEM_SHARED((NP, C), jnp.float32),
        pltpu.SemaphoreType.DMA,
    ],
)
def _sc_hop(zs_hbm, ridx_hbm, cidx_hbm, zeros_hbm, out_hbm,
            ridx_v, cidx_v, msg_v, zs_sh, acc_sh, sem):
    c = lax.axis_index("c")
    s = lax.axis_index("s")
    w = s * NC + c
    pltpu.sync_copy(ridx_hbm.at[w], ridx_v)
    pltpu.sync_copy(cidx_hbm.at[w], cidx_v)
    rs = s * RPT
    pltpu.sync_copy(zs_hbm.at[pl.ds(rs, RPT)], zs_sh.at[pl.ds(rs, RPT)])
    pltpu.sync_copy(zeros_hbm.at[pl.ds(rs, RPT)], acc_sh.at[pl.ds(rs, RPT)])
    plsc.subcore_barrier()

    def body(j, carry):
        pltpu.async_copy(zs_sh.at[ridx_v.at[j]], msg_v, sem).wait()
        pltpu.sync_copy(msg_v, acc_sh.at[cidx_v.at[j]], add=True)
        return carry

    lax.fori_loop(0, KJ, body, 0)
    plsc.subcore_barrier()
    pltpu.sync_copy(acc_sh.at[pl.ds(rs, RPT)], out_hbm.at[c, pl.ds(rs, RPT)])


def _tc_matmul(x_ref, w_ref, o_ref):
    o_ref[...] = lax.dot_general(
        x_ref[...], w_ref[...], (((1,), (1,)), ((), ())),
        preferred_element_type=jnp.float32)


def _tc_prep(d0_ref, d1_ref, z_ref, zs_ref, disb_ref):
    deg = d0_ref[...] + d1_ref[...] + 1.0
    disb = lax.rsqrt(deg)
    disb_ref[...] = disb
    zs_ref[...] = z_ref[...] * disb


def _tc_mid(a0_ref, a1_ref, z_ref, disb_ref, h1_ref, zs2_ref):
    disb = disb_ref[...]
    h1 = disb * (a0_ref[...] + a1_ref[...]) + disb * disb * z_ref[...]
    h1_ref[...] = h1
    zs2_ref[...] = disb * h1


def _tc_final(a0_ref, a1_ref, h1_ref, disb_ref, b_ref, o_ref):
    disb = disb_ref[...]
    h2 = disb * (a0_ref[...] + a1_ref[...]) + disb * disb * h1_ref[...]
    o = h2 + b_ref[...]
    m = jnp.max(o, axis=1, keepdims=True)
    e = o - m
    o_ref[...] = e - jnp.log(jnp.sum(jnp.exp(e), axis=1, keepdims=True))


def kernel(x, edge_index, W, b):
    pad = EP - E
    row_p = jnp.concatenate([edge_index[0], jnp.zeros((pad,), jnp.int32)])
    col_p = jnp.concatenate([edge_index[1], jnp.full((pad,), N, jnp.int32)])
    ridx = row_p.reshape(NW, KJ, CH)
    cidx = col_p.reshape(NW, KJ, CH)
    x_p = jnp.concatenate([x, jnp.zeros((NP - N, D), x.dtype)])
    zeros_np = jnp.zeros((NP, C), jnp.float32)
    ones_ch = jnp.ones((CH, C), jnp.float32)

    degp = _sc_degree(cidx, zeros_np, ones_ch)

    z = pl.pallas_call(
        _tc_matmul,
        out_shape=jax.ShapeDtypeStruct((NP, C), jnp.float32),
    )(x_p, W)

    zs1, disb = pl.pallas_call(
        _tc_prep,
        out_shape=(jax.ShapeDtypeStruct((NP, C), jnp.float32),
                   jax.ShapeDtypeStruct((NP, C), jnp.float32)),
    )(degp[0], degp[1], z)

    acc1 = _sc_hop(zs1, ridx, cidx, zeros_np)

    h1, zs2 = pl.pallas_call(
        _tc_mid,
        out_shape=(jax.ShapeDtypeStruct((NP, C), jnp.float32),
                   jax.ShapeDtypeStruct((NP, C), jnp.float32)),
    )(acc1[0], acc1[1], z, disb)

    acc2 = _sc_hop(zs2, ridx, cidx, zeros_np)

    out = pl.pallas_call(
        _tc_final,
        out_shape=jax.ShapeDtypeStruct((NP, C), jnp.float32),
    )(acc2[0], acc2[1], h1, disb, b.reshape(1, C))
    return out[:N]

# --- scband reference (transcript-rebuilt; emitter-appended) ---
"""Pipeline reference for scband-net-51857435132348 (READ-ONLY COPY).

The authoritative reference and input builder live on the scoring server;
editing this copy changes nothing except your own understanding.
"""

import jax, jax.numpy as jnp
import numpy as np

N = 10000
E = 320000
D = 128
C = 16
K_HOPS = 2

def setup_inputs(seed: int = 0) -> dict:
    key = jax.random.key(seed)
    k1, k2, k3, k4 = jax.random.split(key, 4)
    x = jax.random.normal(k1, (N, D), dtype=jnp.float32)
    edge_index = jax.random.randint(k2, (2, E), 0, N, dtype=jnp.int32)
    # linear layer params (torch Linear: out = x @ W.T + b), glorot-ish init
    W = jax.random.normal(k3, (C, D), dtype=jnp.float32) * (1.0 / np.sqrt(D))
    b = jnp.zeros((C,), dtype=jnp.float32)
    return {"x": x, "edge_index": edge_index, "W": W, "b": b}


def _sgc_forward(x, edge_index, W, b):
    n = x.shape[0]
    row = edge_index[0]
    col = edge_index[1]
    # gcn_norm with self loops
    loop = jnp.arange(n, dtype=row.dtype)
    row = jnp.concatenate([row, loop])
    col = jnp.concatenate([col, loop])
    ew = jnp.ones((row.shape[0],), dtype=x.dtype)
    deg = jnp.zeros((n,), dtype=x.dtype).at[col].add(ew)
    deg_inv_sqrt = jnp.where(deg > 0, deg ** -0.5, 0.0)
    norm = deg_inv_sqrt[row] * ew * deg_inv_sqrt[col]
    # K hops of propagation: gather from src (row), scatter-add to dst (col)
    h = x
    for _ in range(K_HOPS):
        msg = h[row] * norm[:, None]
        h = jnp.zeros((n, h.shape[1]), dtype=h.dtype).at[col].add(msg)
    out = h @ W.T + b
    return jax.nn.log_softmax(out, axis=1)


def reference(x, edge_index, W, b):
    return _sgc_forward(x, edge_index, W, b)

if __name__ == "__main__":
    import jax
    _d = setup_inputs()
    print(jax.jit(kernel)(*tuple(_d.values())))

</pallas_src>

<mosaic_0001>
#map = affine_map<(d0, d1) -> (0, 0)>
#map1 = affine_map<(d0, d1) -> (0, 0, 0)>
module attributes {stable_mosaic.version = 14 : i64} {
  func.func @_sc_hop(%arg0: i32, %arg1: i32, %arg2: memref<10112x16xf32, #tpu.memory_space<hbm>>, %arg3: memref<32x79x128xi32, #tpu.memory_space<hbm>>, %arg4: memref<32x79x128xi32, #tpu.memory_space<hbm>>, %arg5: memref<10112x16xf32, #tpu.memory_space<hbm>>, %arg6: memref<2x10112x16xf32, #tpu.memory_space<hbm>>, %arg7: memref<79x128xi32, #tpu.memory_space<vmem>>, %arg8: memref<79x128xi32, #tpu.memory_space<vmem>>, %arg9: memref<128x16xf32, #tpu.memory_space<vmem>>, %arg10: memref<10112x16xf32, #tpu.memory_space<vmem_shared>>, %arg11: memref<10112x16xf32, #tpu.memory_space<vmem_shared>>, %arg12: memref<!tpu.dma_semaphore, #tpu.memory_space<semaphore_mem>>) attributes {dimension_semantics = [#tpu.dimension_semantics<core_parallel>, #tpu.dimension_semantics<subcore_parallel>], iteration_bounds = array<i64: 2, 16>, scalar_prefetch = 0 : i64, scratch_operands = 6 : i64, tpu.core_type = #tpu.core_type<sc_vector_subcore>, window_params = [{transform_indices = #map}, {transform_indices = #map1}, {transform_indices = #map1}, {transform_indices = #map}, {transform_indices = #map1}]} {
    %mul3A = arith.constant 2 : i32
    %mul3A_0 = arith.muli %arg1, %mul3A : i32
    %add3A = arith.addi %mul3A_0, %arg0 : i32
    "tpu.region"() ({
      %run_scoped3A = tpu.sem_alloc : memref<!tpu.dma_semaphore, #tpu.memory_space<semaphore_mem>>
      %dma_start3A = arith.constant 0 : i32
      %dma_start3A_9 = arith.constant 0 : i32
      %dma_start3A_10 = tpu.memref_slice %arg3[%add3A, %dma_start3A, %dma_start3A_9] : memref<32x79x128xi32, #tpu.memory_space<hbm>> -> memref<1x79x128xi32, #tpu.memory_space<hbm>>
      %dma_start3A_11 = tpu.memref_squeeze %dma_start3A_10 : memref<1x79x128xi32, #tpu.memory_space<hbm>> -> memref<79x128xi32, #tpu.memory_space<hbm>>
      %dma_start3A_12 = arith.constant 0 : i32
      %dma_start3A_13 = arith.constant 0 : i32
      %dma_start3A_14 = tpu.memref_slice %arg3[%add3A, %dma_start3A_12, %dma_start3A_13] : memref<32x79x128xi32, #tpu.memory_space<hbm>> -> memref<1x79x128xi32, #tpu.memory_space<hbm>>
      %dma_start3A_15 = tpu.memref_squeeze %dma_start3A_14 : memref<1x79x128xi32, #tpu.memory_space<hbm>> -> memref<79x128xi32, #tpu.memory_space<hbm>>
      tpu.enqueue_dma source(%dma_start3A_15 : memref<79x128xi32, #tpu.memory_space<hbm>>) target(%arg7 : memref<79x128xi32, #tpu.memory_space<vmem>>) target_semaphore(%run_scoped3A : memref<!tpu.dma_semaphore, #tpu.memory_space<semaphore_mem>>)
      %dma_wait3A = arith.constant 0 : i32
      %dma_wait3A_16 = arith.constant 0 : i32
      %dma_wait3A_17 = tpu.memref_slice %arg3[%add3A, %dma_wait3A, %dma_wait3A_16] : memref<32x79x128xi32, #tpu.memory_space<hbm>> -> memref<1x79x128xi32, #tpu.memory_space<hbm>>
      %dma_wait3A_18 = tpu.memref_squeeze %dma_wait3A_17 : memref<1x79x128xi32, #tpu.memory_space<hbm>> -> memref<79x128xi32, #tpu.memory_space<hbm>>
      %dma_wait3A_19 = arith.constant 0 : i32
      %dma_wait3A_20 = arith.constant 0 : i32
      %dma_wait3A_21 = tpu.memref_slice %arg3[%add3A, %dma_wait3A_19, %dma_wait3A_20] : memref<32x79x128xi32, #tpu.memory_space<hbm>> -> memref<1x79x128xi32, #tpu.memory_space<hbm>>
      %dma_wait3A_22 = tpu.memref_squeeze %dma_wait3A_21 : memref<1x79x128xi32, #tpu.memory_space<hbm>> -> memref<79x128xi32, #tpu.memory_space<hbm>>
      tpu.wait_dma2 semaphore(%run_scoped3A : memref<!tpu.dma_semaphore, #tpu.memory_space<semaphore_mem>>) src(%dma_wait3A_22 : memref<79x128xi32, #tpu.memory_space<hbm>>) dst(%arg7 : memref<79x128xi32, #tpu.memory_space<vmem>>)
      tpu.yield
    }) : () -> ()
    "tpu.region"() ({
      %run_scoped3A = tpu.sem_alloc : memref<!tpu.dma_semaphore, #tpu.memory_space<semaphore_mem>>
      %dma_start3A = arith.constant 0 : i32
      %dma_start3A_9 = arith.constant 0 : i32
      %dma_start3A_10 = tpu.memref_slice %arg4[%add3A, %dma_start3A, %dma_start3A_9] : memref<32x79x128xi32, #tpu.memory_space<hbm>> -> memref<1x79x128xi32, #tpu.memory_space<hbm>>
      %dma_start3A_11 = tpu.memref_squeeze %dma_start3A_10 : memref<1x79x128xi32, #tpu.memory_space<hbm>> -> memref<79x128xi32, #tpu.memory_space<hbm>>
      %dma_start3A_12 = arith.constant 0 : i32
      %dma_start3A_13 = arith.constant 0 : i32
      %dma_start3A_14 = tpu.memref_slice %arg4[%add3A, %dma_start3A_12, %dma_start3A_13] : memref<32x79x128xi32, #tpu.memory_space<hbm>> -> memref<1x79x128xi32, #tpu.memory_space<hbm>>
      %dma_start3A_15 = tpu.memref_squeeze %dma_start3A_14 : memref<1x79x128xi32, #tpu.memory_space<hbm>> -> memref<79x128xi32, #tpu.memory_space<hbm>>
      tpu.enqueue_dma source(%dma_start3A_15 : memref<79x128xi32, #tpu.memory_space<hbm>>) target(%arg8 : memref<79x128xi32, #tpu.memory_space<vmem>>) target_semaphore(%run_scoped3A : memref<!tpu.dma_semaphore, #tpu.memory_space<semaphore_mem>>)
      %dma_wait3A = arith.constant 0 : i32
      %dma_wait3A_16 = arith.constant 0 : i32
      %dma_wait3A_17 = tpu.memref_slice %arg4[%add3A, %dma_wait3A, %dma_wait3A_16] : memref<32x79x128xi32, #tpu.memory_space<hbm>> -> memref<1x79x128xi32, #tpu.memory_space<hbm>>
      %dma_wait3A_18 = tpu.memref_squeeze %dma_wait3A_17 : memref<1x79x128xi32, #tpu.memory_space<hbm>> -> memref<79x128xi32, #tpu.memory_space<hbm>>
      %dma_wait3A_19 = arith.constant 0 : i32
      %dma_wait3A_20 = arith.constant 0 : i32
      %dma_wait3A_21 = tpu.memref_slice %arg4[%add3A, %dma_wait3A_19, %dma_wait3A_20] : memref<32x79x128xi32, #tpu.memory_space<hbm>> -> memref<1x79x128xi32, #tpu.memory_space<hbm>>
      %dma_wait3A_22 = tpu.memref_squeeze %dma_wait3A_21 : memref<1x79x128xi32, #tpu.memory_space<hbm>> -> memref<79x128xi32, #tpu.memory_space<hbm>>
      tpu.wait_dma2 semaphore(%run_scoped3A : memref<!tpu.dma_semaphore, #tpu.memory_space<semaphore_mem>>) src(%dma_wait3A_22 : memref<79x128xi32, #tpu.memory_space<hbm>>) dst(%arg8 : memref<79x128xi32, #tpu.memory_space<vmem>>)
      tpu.yield
    }) : () -> ()
    %mul3A_1 = arith.constant 632 : i32
    %mul3A_2 = arith.muli %arg1, %mul3A_1 : i32
    "tpu.region"() ({
      %run_scoped3A = tpu.sem_alloc : memref<!tpu.dma_semaphore, #tpu.memory_space<semaphore_mem>>
      %dma_start3A = arith.constant 0 : i32
      %dma_start3A_9 = tpu.memref_slice %arg10[%mul3A_2, %dma_start3A] : memref<10112x16xf32, #tpu.memory_space<vmem_shared>> -> memref<632x16xf32, #tpu.memory_space<vmem_shared>>
      %dma_start3A_10 = arith.constant 0 : i32
      %dma_start3A_11 = tpu.memref_slice %arg2[%mul3A_2, %dma_start3A_10] : memref<10112x16xf32, #tpu.memory_space<hbm>> -> memref<632x16xf32, #tpu.memory_space<hbm>>
      tpu.enqueue_dma source(%dma_start3A_11 : memref<632x16xf32, #tpu.memory_space<hbm>>) target(%dma_start3A_9 : memref<632x16xf32, #tpu.memory_space<vmem_shared>>) target_semaphore(%run_scoped3A : memref<!tpu.dma_semaphore, #tpu.memory_space<semaphore_mem>>)
      %dma_wait3A = arith.constant 0 : i32
      %dma_wait3A_12 = tpu.memref_slice %arg10[%mul3A_2, %dma_wait3A] : memref<10112x16xf32, #tpu.memory_space<vmem_shared>> -> memref<632x16xf32, #tpu.memory_space<vmem_shared>>
      %dma_wait3A_13 = arith.constant 0 : i32
      %dma_wait3A_14 = tpu.memref_slice %arg2[%mul3A_2, %dma_wait3A_13] : memref<10112x16xf32, #tpu.memory_space<hbm>> -> memref<632x16xf32, #tpu.memory_space<hbm>>
      tpu.wait_dma2 semaphore(%run_scoped3A : memref<!tpu.dma_semaphore, #tpu.memory_space<semaphore_mem>>) src(%dma_wait3A_14 : memref<632x16xf32, #tpu.memory_space<hbm>>) dst(%dma_wait3A_12 : memref<632x16xf32, #tpu.memory_space<vmem_shared>>)
      tpu.yield
    }) : () -> ()
    "tpu.region"() ({
      %run_scoped3A = tpu.sem_alloc : memref<!tpu.dma_semaphore, #tpu.memory_space<semaphore_mem>>
      %dma_start3A = arith.constant 0 : i32
      %dma_start3A_9 = tpu.memref_slice %arg11[%mul3A_2, %dma_start3A] : memref<10112x16xf32, #tpu.memory_space<vmem_shared>> -> memref<632x16xf32, #tpu.memory_space<vmem_shared>>
      %dma_start3A_10 = arith.constant 0 : i32
      %dma_start3A_11 = tpu.memref_slice %arg5[%mul3A_2, %dma_start3A_10] : memref<10112x16xf32, #tpu.memory_space<hbm>> -> memref<632x16xf32, #tpu.memory_space<hbm>>
      tpu.enqueue_dma source(%dma_start3A_11 : memref<632x16xf32, #tpu.memory_space<hbm>>) target(%dma_start3A_9 : memref<632x16xf32, #tpu.memory_space<vmem_shared>>) target_semaphore(%run_scoped3A : memref<!tpu.dma_semaphore, #tpu.memory_space<semaphore_mem>>)
      %dma_wait3A = arith.constant 0 : i32
      %dma_wait3A_12 = tpu.memref_slice %arg11[%mul3A_2, %dma_wait3A] : memref<10112x16xf32, #tpu.memory_space<vmem_shared>> -> memref<632x16xf32, #tpu.memory_space<vmem_shared>>
      %dma_wait3A_13 = arith.constant 0 : i32
      %dma_wait3A_14 = tpu.memref_slice %arg5[%mul3A_2, %dma_wait3A_13] : memref<10112x16xf32, #tpu.memory_space<hbm>> -> memref<632x16xf32, #tpu.memory_space<hbm>>
      tpu.wait_dma2 semaphore(%run_scoped3A : memref<!tpu.dma_semaphore, #tpu.memory_space<semaphore_mem>>) src(%dma_wait3A_14 : memref<632x16xf32, #tpu.memory_space<hbm>>) dst(%dma_wait3A_12 : memref<632x16xf32, #tpu.memory_space<vmem_shared>>)
      tpu.yield
    }) : () -> ()
    %barrier3A = arith.constant 0 : index
    tpu.barrier barrier_id(%barrier3A)
    %scan3A = arith.constant 0 : i32
    %scan3A_3 = arith.constant 0 : i32
    %scan3A_4 = arith.constant 79 : i32
    %scan3A_5 = arith.addi %scan3A_3, %scan3A_4 : i32
    %scan3A_6 = arith.constant 1 : i32
    scf.for %scan3A_9 = %scan3A_3 to %scan3A_5 step %scan3A_6  : i32 {
      %dma_start3A = arith.constant 0 : i32
      %dma_start3A_10 = tpu.memref_slice %arg7[%scan3A_9, %dma_start3A] : memref<79x128xi32, #tpu.memory_space<vmem>> -> memref<1x128xi32, #tpu.memory_space<vmem>>
      %dma_start3A_11 = tpu.memref_squeeze %dma_start3A_10 : memref<1x128xi32, #tpu.memory_space<vmem>> -> memref<128xi32, #tpu.memory_space<vmem>>
      %dma_start3A_12 = arith.constant 0 : i32
      %dma_start3A_13 = arith.constant 0 : i32
      %dma_start3A_14 = tpu.memref_slice %arg10[%dma_start3A_12, %dma_start3A_13] : memref<10112x16xf32, #tpu.memory_space<vmem_shared>> -> memref<10112x16xf32, #tpu.memory_space<vmem_shared>>
      tpu.enqueue_indirect_dma source(%dma_start3A_14 : memref<10112x16xf32, #tpu.memory_space<vmem_shared>>) target(%arg9 : memref<128x16xf32, #tpu.memory_space<vmem>>) offsets(%dma_start3A_11 : memref<128xi32, #tpu.memory_space<vmem>>) semaphore(%arg12 : memref<!tpu.dma_semaphore, #tpu.memory_space<semaphore_mem>>)
      %dma_wait3A = arith.constant 0 : i32
      %dma_wait3A_15 = tpu.memref_slice %arg7[%scan3A_9, %dma_wait3A] : memref<79x128xi32, #tpu.memory_space<vmem>> -> memref<1x128xi32, #tpu.memory_space<vmem>>
      %dma_wait3A_16 = tpu.memref_squeeze %dma_wait3A_15 : memref<1x128xi32, #tpu.memory_space<vmem>> -> memref<128xi32, #tpu.memory_space<vmem>>
      %dma_wait3A_17 = arith.constant 0 : i32
      %dma_wait3A_18 = arith.constant 0 : i32
      %dma_wait3A_19 = tpu.memref_slice %arg10[%dma_wait3A_17, %dma_wait3A_18] : memref<10112x16xf32, #tpu.memory_space<vmem_shared>> -> memref<10112x16xf32, #tpu.memory_space<vmem_shared>>
      tpu.wait_indirect_dma semaphore(%arg12 : memref<!tpu.dma_semaphore, #tpu.memory_space<semaphore_mem>>) src(%dma_wait3A_19 : memref<10112x16xf32, #tpu.memory_space<vmem_shared>>) dst(%arg9 : memref<128x16xf32, #tpu.memory_space<vmem>>)
      "tpu.region"() ({
        %run_scoped3A = tpu.sem_alloc : memref<!tpu.dma_semaphore, #tpu.memory_space<semaphore_mem>>
        %dma_start3A_20 = arith.constant 0 : i32
        %dma_start3A_21 = tpu.memref_slice %arg8[%scan3A_9, %dma_start3A_20] : memref<79x128xi32, #tpu.memory_space<vmem>> -> memref<1x128xi32, #tpu.memory_space<vmem>>
        %dma_start3A_22 = tpu.memref_squeeze %dma_start3A_21 : memref<1x128xi32, #tpu.memory_space<vmem>> -> memref<128xi32, #tpu.memory_space<vmem>>
        %dma_start3A_23 = arith.constant 0 : i32
        %dma_start3A_24 = arith.constant 0 : i32
        %dma_start3A_25 = tpu.memref_slice %arg11[%dma_start3A_23, %dma_start3A_24] : memref<10112x16xf32, #tpu.memory_space<vmem_shared>> -> memref<10112x16xf32, #tpu.memory_space<vmem_shared>>
        tpu.enqueue_indirect_dma source(%arg9 : memref<128x16xf32, #tpu.memory_space<vmem>>) target(%dma_start3A_25 : memref<10112x16xf32, #tpu.memory_space<vmem_shared>>) offsets(%dma_start3A_22 : memref<128xi32, #tpu.memory_space<vmem>>) semaphore(%run_scoped3A : memref<!tpu.dma_semaphore, #tpu.memory_space<semaphore_mem>>) {add = true}
        %dma_wait3A_26 = arith.constant 0 : i32
        %dma_wait3A_27 = tpu.memref_slice %arg8[%scan3A_9, %dma_wait3A_26] : memref<79x128xi32, #tpu.memory_space<vmem>> -> memref<1x128xi32, #tpu.memory_space<vmem>>
        %dma_wait3A_28 = tpu.memref_squeeze %dma_wait3A_27 : memref<1x128xi32, #tpu.memory_space<vmem>> -> memref<128xi32, #tpu.memory_space<vmem>>
        %dma_wait3A_29 = arith.constant 0 : i32
        %dma_wait3A_30 = arith.constant 0 : i32
        %dma_wait3A_31 = tpu.memref_slice %arg11[%dma_wait3A_29, %dma_wait3A_30] : memref<10112x16xf32, #tpu.memory_space<vmem_shared>> -> memref<10112x16xf32, #tpu.memory_space<vmem_shared>>
        tpu.wait_indirect_dma semaphore(%run_scoped3A : memref<!tpu.dma_semaphore, #tpu.memory_space<semaphore_mem>>) src(%arg9 : memref<128x16xf32, #tpu.memory_space<vmem>>) dst(%dma_wait3A_31 : memref<10112x16xf32, #tpu.memory_space<vmem_shared>>)
        tpu.yield
      }) : () -> ()
    }
    %scan3A_7 = arith.constant 79 : i32
    %barrier3A_8 = arith.constant 0 : index
    tpu.barrier barrier_id(%barrier3A_8)
    "tpu.region"() ({
      %run_scoped3A = tpu.sem_alloc : memref<!tpu.dma_semaphore, #tpu.memory_space<semaphore_mem>>
      %dma_start3A = arith.constant 0 : i32
      %dma_start3A_9 = tpu.memref_slice %arg6[%arg0, %mul3A_2, %dma_start3A] : memref<2x10112x16xf32, #tpu.memory_space<hbm>> -> memref<1x632x16xf32, #tpu.memory_space<hbm>>
      %dma_start3A_10 = tpu.memref_squeeze %dma_start3A_9 : memref<1x632x16xf32, #tpu.memory_space<hbm>> -> memref<632x16xf32, #tpu.memory_space<hbm>>
      %dma_start3A_11 = arith.constant 0 : i32
      %dma_start3A_12 = tpu.memref_slice %arg11[%mul3A_2, %dma_start3A_11] : memref<10112x16xf32, #tpu.memory_space<vmem_shared>> -> memref<632x16xf32, #tpu.memory_space<vmem_shared>>
      tpu.enqueue_dma source(%dma_start3A_12 : memref<632x16xf32, #tpu.memory_space<vmem_shared>>) target(%dma_start3A_10 : memref<632x16xf32, #tpu.memory_space<hbm>>) target_semaphore(%run_scoped3A : memref<!tpu.dma_semaphore, #tpu.memory_space<semaphore_mem>>)
      %dma_wait3A = arith.constant 0 : i32
      %dma_wait3A_13 = tpu.memref_slice %arg6[%arg0, %mul3A_2, %dma_wait3A] : memref<2x10112x16xf32, #tpu.memory_space<hbm>> -> memref<1x632x16xf32, #tpu.memory_space<hbm>>
      %dma_wait3A_14 = tpu.memref_squeeze %dma_wait3A_13 : memref<1x632x16xf32, #tpu.memory_space<hbm>> -> memref<632x16xf32, #tpu.memory_space<hbm>>
      %dma_wait3A_15 = arith.constant 0 : i32
      %dma_wait3A_16 = tpu.memref_slice %arg11[%mul3A_2, %dma_wait3A_15] : memref<10112x16xf32, #tpu.memory_space<vmem_shared>> -> memref<632x16xf32, #tpu.memory_space<vmem_shared>>
      tpu.wait_dma2 semaphore(%run_scoped3A : memref<!tpu.dma_semaphore, #tpu.memory_space<semaphore_mem>>) src(%dma_wait3A_16 : memref<632x16xf32, #tpu.memory_space<vmem_shared>>) dst(%dma_wait3A_14 : memref<632x16xf32, #tpu.memory_space<hbm>>)
      tpu.yield
    }) : () -> ()
    return
  }
}

#map = affine_map<(d0, d1) -> (0, 0)>
#map1 = affine_map<(d0, d1) -> (0, 0, 0)>
module attributes {stable_mosaic.version = 14 : i64} {
  func.func @_sc_hop(%arg0: i32, %arg1: i32, %arg2: memref<10112x16xf32, #tpu.memory_space<hbm>>, %arg3: memref<32x79x128xi32, #tpu.memory_space<hbm>>, %arg4: memref<32x79x128xi32, #tpu.memory_space<hbm>>, %arg5: memref<10112x16xf32, #tpu.memory_space<hbm>>, %arg6: memref<2x10112x16xf32, #tpu.memory_space<hbm>>, %arg7: memref<79x128xi32, #tpu.memory_space<vmem>>, %arg8: memref<79x128xi32, #tpu.memory_space<vmem>>, %arg9: memref<128x16xf32, #tpu.memory_space<vmem>>, %arg10: memref<10112x16xf32, #tpu.memory_space<vmem_shared>>, %arg11: memref<10112x16xf32, #tpu.memory_space<vmem_shared>>, %arg12: memref<!tpu.dma_semaphore, #tpu.memory_space<semaphore_mem>>) attributes {dimension_semantics = [#tpu.dimension_semantics<core_parallel>, #tpu.dimension_semantics<subcore_parallel>], iteration_bounds = array<i64: 2, 16>, scalar_prefetch = 0 : i64, scratch_operands = 6 : i64, tpu.core_type = #tpu.core_type<sc_vector_subcore>, window_params = [{transform_indices = #map}, {transform_indices = #map1}, {transform_indices = #map1}, {transform_indices = #map}, {transform_indices = #map1}]} {
    %mul3A = arith.constant 2 : i32
    %mul3A_0 = arith.muli %arg1, %mul3A : i32
    %add3A = arith.addi %mul3A_0, %arg0 : i32
    "tpu.region"() ({
      %run_scoped3A = tpu.sem_alloc : memref<!tpu.dma_semaphore, #tpu.memory_space<semaphore_mem>>
      %dma_start3A = arith.constant 0 : i32
      %dma_start3A_9 = arith.constant 0 : i32
      %dma_start3A_10 = tpu.memref_slice %arg3[%add3A, %dma_start3A, %dma_start3A_9] : memref<32x79x128xi32, #tpu.memory_space<hbm>> -> memref<1x79x128xi32, #tpu.memory_space<hbm>>
      %dma_start3A_11 = tpu.memref_squeeze %dma_start3A_10 : memref<1x79x128xi32, #tpu.memory_space<hbm>> -> memref<79x128xi32, #tpu.memory_space<hbm>>
      %dma_start3A_12 = arith.constant 0 : i32
      %dma_start3A_13 = arith.constant 0 : i32
      %dma_start3A_14 = tpu.memref_slice %arg3[%add3A, %dma_start3A_12, %dma_start3A_13] : memref<32x79x128xi32, #tpu.memory_space<hbm>> -> memref<1x79x128xi32, #tpu.memory_space<hbm>>
      %dma_start3A_15 = tpu.memref_squeeze %dma_start3A_14 : memref<1x79x128xi32, #tpu.memory_space<hbm>> -> memref<79x128xi32, #tpu.memory_space<hbm>>
      tpu.enqueue_dma source(%dma_start3A_15 : memref<79x128xi32, #tpu.memory_space<hbm>>) target(%arg7 : memref<79x128xi32, #tpu.memory_space<vmem>>) target_semaphore(%run_scoped3A : memref<!tpu.dma_semaphore, #tpu.memory_space<semaphore_mem>>)
      %dma_wait3A = arith.constant 0 : i32
      %dma_wait3A_16 = arith.constant 0 : i32
      %dma_wait3A_17 = tpu.memref_slice %arg3[%add3A, %dma_wait3A, %dma_wait3A_16] : memref<32x79x128xi32, #tpu.memory_space<hbm>> -> memref<1x79x128xi32, #tpu.memory_space<hbm>>
      %dma_wait3A_18 = tpu.memref_squeeze %dma_wait3A_17 : memref<1x79x128xi32, #tpu.memory_space<hbm>> -> memref<79x128xi32, #tpu.memory_space<hbm>>
      %dma_wait3A_19 = arith.constant 0 : i32
      %dma_wait3A_20 = arith.constant 0 : i32
      %dma_wait3A_21 = tpu.memref_slice %arg3[%add3A, %dma_wait3A_19, %dma_wait3A_20] : memref<32x79x128xi32, #tpu.memory_space<hbm>> -> memref<1x79x128xi32, #tpu.memory_space<hbm>>
      %dma_wait3A_22 = tpu.memref_squeeze %dma_wait3A_21 : memref<1x79x128xi32, #tpu.memory_space<hbm>> -> memref<79x128xi32, #tpu.memory_space<hbm>>
      tpu.wait_dma2 semaphore(%run_scoped3A : memref<!tpu.dma_semaphore, #tpu.memory_space<semaphore_mem>>) src(%dma_wait3A_22 : memref<79x128xi32, #tpu.memory_space<hbm>>) dst(%arg7 : memref<79x128xi32, #tpu.memory_space<vmem>>)
      tpu.yield
    }) : () -> ()
    "tpu.region"() ({
      %run_scoped3A = tpu.sem_alloc : memref<!tpu.dma_semaphore, #tpu.memory_space<semaphore_mem>>
      %dma_start3A = arith.constant 0 : i32
      %dma_start3A_9 = arith.constant 0 : i32
      %dma_start3A_10 = tpu.memref_slice %arg4[%add3A, %dma_start3A, %dma_start3A_9] : memref<32x79x128xi32, #tpu.memory_space<hbm>> -> memref<1x79x128xi32, #tpu.memory_space<hbm>>
      %dma_start3A_11 = tpu.memref_squeeze %dma_start3A_10 : memref<1x79x128xi32, #tpu.memory_space<hbm>> -> memref<79x128xi32, #tpu.memory_space<hbm>>
      %dma_start3A_12 = arith.constant 0 : i32
      %dma_start3A_13 = arith.constant 0 : i32
      %dma_start3A_14 = tpu.memref_slice %arg4[%add3A, %dma_start3A_12, %dma_start3A_13] : memref<32x79x128xi32, #tpu.memory_space<hbm>> -> memref<1x79x128xi32, #tpu.memory_space<hbm>>
      %dma_start3A_15 = tpu.memref_squeeze %dma_start3A_14 : memref<1x79x128xi32, #tpu.memory_space<hbm>> -> memref<79x128xi32, #tpu.memory_space<hbm>>
      tpu.enqueue_dma source(%dma_start3A_15 : memref<79x128xi32, #tpu.memory_space<hbm>>) target(%arg8 : memref<79x128xi32, #tpu.memory_space<vmem>>) target_semaphore(%run_scoped3A : memref<!tpu.dma_semaphore, #tpu.memory_space<semaphore_mem>>)
      %dma_wait3A = arith.constant 0 : i32
      %dma_wait3A_16 = arith.constant 0 : i32
      %dma_wait3A_17 = tpu.memref_slice %arg4[%add3A, %dma_wait3A, %dma_wait3A_16] : memref<32x79x128xi32, #tpu.memory_space<hbm>> -> memref<1x79x128xi32, #tpu.memory_space<hbm>>
      %dma_wait3A_18 = tpu.memref_squeeze %dma_wait3A_17 : memref<1x79x128xi32, #tpu.memory_space<hbm>> -> memref<79x128xi32, #tpu.memory_space<hbm>>
      %dma_wait3A_19 = arith.constant 0 : i32
      %dma_wait3A_20 = arith.constant 0 : i32
      %dma_wait3A_21 = tpu.memref_slice %arg4[%add3A, %dma_wait3A_19, %dma_wait3A_20] : memref<32x79x128xi32, #tpu.memory_space<hbm>> -> memref<1x79x128xi32, #tpu.memory_space<hbm>>
      %dma_wait3A_22 = tpu.memref_squeeze %dma_wait3A_21 : memref<1x79x128xi32, #tpu.memory_space<hbm>> -> memref<79x128xi32, #tpu.memory_space<hbm>>
      tpu.wait_dma2 semaphore(%run_scoped3A : memref<!tpu.dma_semaphore, #tpu.memory_space<semaphore_mem>>) src(%dma_wait3A_22 : memref<79x128xi32, #tpu.memory_space<hbm>>) dst(%arg8 : memref<79x128xi32, #tpu.memory_space<vmem>>)
      tpu.yield
    }) : () -> ()
    %mul3A_1 = arith.constant 632 : i32
    %mul3A_2 = arith.muli %arg1, %mul3A_1 : i32
    "tpu.region"() ({
      %run_scoped3A = tpu.sem_alloc : memref<!tpu.dma_semaphore, #tpu.memory_space<semaphore_mem>>
      %dma_start3A = arith.constant 0 : i32
      %dma_start3A_9 = tpu.memref_slice %arg10[%mul3A_2, %dma_start3A] : memref<10112x16xf32, #tpu.memory_space<vmem_shared>> -> memref<632x16xf32, #tpu.memory_space<vmem_shared>>
      %dma_start3A_10 = arith.constant 0 : i32
      %dma_start3A_11 = tpu.memref_slice %arg2[%mul3A_2, %dma_start3A_10] : memref<10112x16xf32, #tpu.memory_space<hbm>> -> memref<632x16xf32, #tpu.memory_space<hbm>>
      tpu.enqueue_dma source(%dma_start3A_11 : memref<632x16xf32, #tpu.memory_space<hbm>>) target(%dma_start3A_9 : memref<632x16xf32, #tpu.memory_space<vmem_shared>>) target_semaphore(%run_scoped3A : memref<!tpu.dma_semaphore, #tpu.memory_space<semaphore_mem>>)
      %dma_wait3A = arith.constant 0 : i32
      %dma_wait3A_12 = tpu.memref_slice %arg10[%mul3A_2, %dma_wait3A] : memref<10112x16xf32, #tpu.memory_space<vmem_shared>> -> memref<632x16xf32, #tpu.memory_space<vmem_shared>>
      %dma_wait3A_13 = arith.constant 0 : i32
      %dma_wait3A_14 = tpu.memref_slice %arg2[%mul3A_2, %dma_wait3A_13] : memref<10112x16xf32, #tpu.memory_space<hbm>> -> memref<632x16xf32, #tpu.memory_space<hbm>>
      tpu.wait_dma2 semaphore(%run_scoped3A : memref<!tpu.dma_semaphore, #tpu.memory_space<semaphore_mem>>) src(%dma_wait3A_14 : memref<632x16xf32, #tpu.memory_space<hbm>>) dst(%dma_wait3A_12 : memref<632x16xf32, #tpu.memory_space<vmem_shared>>)
      tpu.yield
    }) : () -> ()
    "tpu.region"() ({
      %run_scoped3A = tpu.sem_alloc : memref<!tpu.dma_semaphore, #tpu.memory_space<semaphore_mem>>
      %dma_start3A = arith.constant 0 : i32
      %dma_start3A_9 = tpu.memref_slice %arg11[%mul3A_2, %dma_start3A] : memref<10112x16xf32, #tpu.memory_space<vmem_shared>> -> memref<632x16xf32, #tpu.memory_space<vmem_shared>>
      %dma_start3A_10 = arith.constant 0 : i32
      %dma_start3A_11 = tpu.memref_slice %arg5[%mul3A_2, %dma_start3A_10] : memref<10112x16xf32, #tpu.memory_space<hbm>> -> memref<632x16xf32, #tpu.memory_space<hbm>>
      tpu.enqueue_dma source(%dma_start3A_11 : memref<632x16xf32, #tpu.memory_space<hbm>>) target(%dma_start3A_9 : memref<632x16xf32, #tpu.memory_space<vmem_shared>>) target_semaphore(%run_scoped3A : memref<!tpu.dma_semaphore, #tpu.memory_space<semaphore_mem>>)
      %dma_wait3A = arith.constant 0 : i32
      %dma_wait3A_12 = tpu.memref_slice %arg11[%mul3A_2, %dma_wait3A] : memref<10112x16xf32, #tpu.memory_space<vmem_shared>> -> memref<632x16xf32, #tpu.memory_space<vmem_shared>>
      %dma_wait3A_13 = arith.constant 0 : i32
      %dma_wait3A_14 = tpu.memref_slice %arg5[%mul3A_2, %dma_wait3A_13] : memref<10112x16xf32, #tpu.memory_space<hbm>> -> memref<632x16xf32, #tpu.memory_space<hbm>>
      tpu.wait_dma2 semaphore(%run_scoped3A : memref<!tpu.dma_semaphore, #tpu.memory_space<semaphore_mem>>) src(%dma_wait3A_14 : memref<632x16xf32, #tpu.memory_space<hbm>>) dst(%dma_wait3A_12 : memref<632x16xf32, #tpu.memory_space<vmem_shared>>)
      tpu.yield
    }) : () -> ()
    %barrier3A = arith.constant 0 : index
    tpu.barrier barrier_id(%barrier3A)
    %scan3A = arith.constant 0 : i32
    %scan3A_3 = arith.constant 0 : i32
    %scan3A_4 = arith.constant 79 : i32
    %scan3A_5 = arith.addi %scan3A_3, %scan3A_4 : i32
    %scan3A_6 = arith.constant 1 : i32
    scf.for %scan3A_9 = %scan3A_3 to %scan3A_5 step %scan3A_6  : i32 {
      %dma_start3A = arith.constant 0 : i32
      %dma_start3A_10 = tpu.memref_slice %arg7[%scan3A_9, %dma_start3A] : memref<79x128xi32, #tpu.memory_space<vmem>> -> memref<1x128xi32, #tpu.memory_space<vmem>>
      %dma_start3A_11 = tpu.memref_squeeze %dma_start3A_10 : memref<1x128xi32, #tpu.memory_space<vmem>> -> memref<128xi32, #tpu.memory_space<vmem>>
      %dma_start3A_12 = arith.constant 0 : i32
      %dma_start3A_13 = arith.constant 0 : i32
      %dma_start3A_14 = tpu.memref_slice %arg10[%dma_start3A_12, %dma_start3A_13] : memref<10112x16xf32, #tpu.memory_space<vmem_shared>> -> memref<10112x16xf32, #tpu.memory_space<vmem_shared>>
      tpu.enqueue_indirect_dma source(%dma_start3A_14 : memref<10112x16xf32, #tpu.memory_space<vmem_shared>>) target(%arg9 : memref<128x16xf32, #tpu.memory_space<vmem>>) offsets(%dma_start3A_11 : memref<128xi32, #tpu.memory_space<vmem>>) semaphore(%arg12 : memref<!tpu.dma_semaphore, #tpu.memory_space<semaphore_mem>>)
      %dma_wait3A = arith.constant 0 : i32
      %dma_wait3A_15 = tpu.memref_slice %arg7[%scan3A_9, %dma_wait3A] : memref<79x128xi32, #tpu.memory_space<vmem>> -> memref<1x128xi32, #tpu.memory_space<vmem>>
      %dma_wait3A_16 = tpu.memref_squeeze %dma_wait3A_15 : memref<1x128xi32, #tpu.memory_space<vmem>> -> memref<128xi32, #tpu.memory_space<vmem>>
      %dma_wait3A_17 = arith.constant 0 : i32
      %dma_wait3A_18 = arith.constant 0 : i32
      %dma_wait3A_19 = tpu.memref_slice %arg10[%dma_wait3A_17, %dma_wait3A_18] : memref<10112x16xf32, #tpu.memory_space<vmem_shared>> -> memref<10112x16xf32, #tpu.memory_space<vmem_shared>>
      tpu.wait_indirect_dma semaphore(%arg12 : memref<!tpu.dma_semaphore, #tpu.memory_space<semaphore_mem>>) src(%dma_wait3A_19 : memref<10112x16xf32, #tpu.memory_space<vmem_shared>>) dst(%arg9 : memref<128x16xf32, #tpu.memory_space<vmem>>)
      "tpu.region"() ({
        %run_scoped3A = tpu.sem_alloc : memref<!tpu.dma_semaphore, #tpu.memory_space<semaphore_mem>>
        %dma_start3A_20 = arith.constant 0 : i32
        %dma_start3A_21 = tpu.memref_slice %arg8[%scan3A_9, %dma_start3A_20] : memref<79x128xi32, #tpu.memory_space<vmem>> -> memref<1x128xi32, #tpu.memory_space<vmem>>
        %dma_start3A_22 = tpu.memref_squeeze %dma_start3A_21 : memref<1x128xi32, #tpu.memory_space<vmem>> -> memref<128xi32, #tpu.memory_space<vmem>>
        %dma_start3A_23 = arith.constant 0 : i32
        %dma_start3A_24 = arith.constant 0 : i32
        %dma_start3A_25 = tpu.memref_slice %arg11[%dma_start3A_23, %dma_start3A_24] : memref<10112x16xf32, #tpu.memory_space<vmem_shared>> -> memref<10112x16xf32, #tpu.memory_space<vmem_shared>>
        tpu.enqueue_indirect_dma source(%arg9 : memref<128x16xf32, #tpu.memory_space<vmem>>) target(%dma_start3A_25 : memref<10112x16xf32, #tpu.memory_space<vmem_shared>>) offsets(%dma_start3A_22 : memref<128xi32, #tpu.memory_space<vmem>>) semaphore(%run_scoped3A : memref<!tpu.dma_semaphore, #tpu.memory_space<semaphore_mem>>) {add = true}
        %dma_wait3A_26 = arith.constant 0 : i32
        %dma_wait3A_27 = tpu.memref_slice %arg8[%scan3A_9, %dma_wait3A_26] : memref<79x128xi32, #tpu.memory_space<vmem>> -> memref<1x128xi32, #tpu.memory_space<vmem>>
        %dma_wait3A_28 = tpu.memref_squeeze %dma_wait3A_27 : memref<1x128xi32, #tpu.memory_space<vmem>> -> memref<128xi32, #tpu.memory_space<vmem>>
        %dma_wait3A_29 = arith.constant 0 : i32
        %dma_wait3A_30 = arith.constant 0 : i32
        %dma_wait3A_31 = tpu.memref_slice %arg11[%dma_wait3A_29, %dma_wait3A_30] : memref<10112x16xf32, #tpu.memory_space<vmem_shared>> -> memref<10112x16xf32, #tpu.memory_space<vmem_shared>>
        tpu.wait_indirect_dma semaphore(%run_scoped3A : memref<!tpu.dma_semaphore, #tpu.memory_space<semaphore_mem>>) src(%arg9 : memref<128x16xf32, #tpu.memory_space<vmem>>) dst(%dma_wait3A_31 : memref<10112x16xf32, #tpu.memory_space<vmem_shared>>)
        tpu.yield
      }) : () -> ()
    }
    %scan3A_7 = arith.constant 79 : i32
    %barrier3A_8 = arith.constant 0 : index
    tpu.barrier barrier_id(%barrier3A_8)
    "tpu.region"() ({
      %run_scoped3A = tpu.sem_alloc : memref<!tpu.dma_semaphore, #tpu.memory_space<semaphore_mem>>
      %dma_start3A = arith.constant 0 : i32
      %dma_start3A_9 = tpu.memref_slice %arg6[%arg0, %mul3A_2, %dma_start3A] : memref<2x10112x16xf32, #tpu.memory_space<hbm>> -> memref<1x632x16xf32, #tpu.memory_space<hbm>>
      %dma_start3A_10 = tpu.memref_squeeze %dma_start3A_9 : memref<1x632x16xf32, #tpu.memory_space<hbm>> -> memref<632x16xf32, #tpu.memory_space<hbm>>
      %dma_start3A_11 = arith.constant 0 : i32
      %dma_start3A_12 = tpu.memref_slice %arg11[%mul3A_2, %dma_start3A_11] : memref<10112x16xf32, #tpu.memory_space<vmem_shared>> -> memref<632x16xf32, #tpu.memory_space<vmem_shared>>
      tpu.enqueue_dma source(%dma_start3A_12 : memref<632x16xf32, #tpu.memory_space<vmem_shared>>) target(%dma_start3A_10 : memref<632x16xf32, #tpu.memory_space<hbm>>) target_semaphore(%run_scoped3A : memref<!tpu.dma_semaphore, #tpu.memory_space<semaphore_mem>>)
      %dma_wait3A = arith.constant 0 : i32
      %dma_wait3A_13 = tpu.memref_slice %arg6[%arg0, %mul3A_2, %dma_wait3A] : memref<2x10112x16xf32, #tpu.memory_space<hbm>> -> memref<1x632x16xf32, #tpu.memory_space<hbm>>
      %dma_wait3A_14 = tpu.memref_squeeze %dma_wait3A_13 : memref<1x632x16xf32, #tpu.memory_space<hbm>> -> memref<632x16xf32, #tpu.memory_space<hbm>>
      %dma_wait3A_15 = arith.constant 0 : i32
      %dma_wait3A_16 = tpu.memref_slice %arg11[%mul3A_2, %dma_wait3A_15] : memref<10112x16xf32, #tpu.memory_space<vmem_shared>> -> memref<632x16xf32, #tpu.memory_space<vmem_shared>>
      tpu.wait_dma2 semaphore(%run_scoped3A : memref<!tpu.dma_semaphore, #tpu.memory_space<semaphore_mem>>) src(%dma_wait3A_16 : memref<632x16xf32, #tpu.memory_space<vmem_shared>>) dst(%dma_wait3A_14 : memref<632x16xf32, #tpu.memory_space<hbm>>)
      tpu.yield
    }) : () -> ()
    return
  }
}

#map = affine_map<(d0, d1) -> (0, 0, 0)>
#map1 = affine_map<(d0, d1) -> (0, 0)>
module attributes {stable_mosaic.version = 14 : i64} {
  func.func @_sc_degree(%arg0: i32, %arg1: i32, %arg2: memref<32x79x128xi32, #tpu.memory_space<hbm>>, %arg3: memref<10112x16xf32, #tpu.memory_space<hbm>>, %arg4: memref<128x16xf32, #tpu.memory_space<hbm>>, %arg5: memref<2x10112x16xf32, #tpu.memory_space<hbm>>, %arg6: memref<79x128xi32, #tpu.memory_space<vmem>>, %arg7: memref<128x16xf32, #tpu.memory_space<vmem>>, %arg8: memref<10112x16xf32, #tpu.memory_space<vmem_shared>>) attributes {dimension_semantics = [#tpu.dimension_semantics<core_parallel>, #tpu.dimension_semantics<subcore_parallel>], iteration_bounds = array<i64: 2, 16>, scalar_prefetch = 0 : i64, scratch_operands = 3 : i64, tpu.core_type = #tpu.core_type<sc_vector_subcore>, window_params = [{transform_indices = #map}, {transform_indices = #map1}, {transform_indices = #map1}, {transform_indices = #map}]} {
    %mul3A = arith.constant 2 : i32
    %mul3A_0 = arith.muli %arg1, %mul3A : i32
    %add3A = arith.addi %mul3A_0, %arg0 : i32
    "tpu.region"() ({
      %run_scoped3A = tpu.sem_alloc : memref<!tpu.dma_semaphore, #tpu.memory_space<semaphore_mem>>
      %dma_start3A = arith.constant 0 : i32
      %dma_start3A_9 = arith.constant 0 : i32
      %dma_start3A_10 = tpu.memref_slice %arg2[%add3A, %dma_start3A, %dma_start3A_9] : memref<32x79x128xi32, #tpu.memory_space<hbm>> -> memref<1x79x128xi32, #tpu.memory_space<hbm>>
      %dma_start3A_11 = tpu.memref_squeeze %dma_start3A_10 : memref<1x79x128xi32, #tpu.memory_space<hbm>> -> memref<79x128xi32, #tpu.memory_space<hbm>>
      %dma_start3A_12 = arith.constant 0 : i32
      %dma_start3A_13 = arith.constant 0 : i32
      %dma_start3A_14 = tpu.memref_slice %arg2[%add3A, %dma_start3A_12, %dma_start3A_13] : memref<32x79x128xi32, #tpu.memory_space<hbm>> -> memref<1x79x128xi32, #tpu.memory_space<hbm>>
      %dma_start3A_15 = tpu.memref_squeeze %dma_start3A_14 : memref<1x79x128xi32, #tpu.memory_space<hbm>> -> memref<79x128xi32, #tpu.memory_space<hbm>>
      tpu.enqueue_dma source(%dma_start3A_15 : memref<79x128xi32, #tpu.memory_space<hbm>>) target(%arg6 : memref<79x128xi32, #tpu.memory_space<vmem>>) target_semaphore(%run_scoped3A : memref<!tpu.dma_semaphore, #tpu.memory_space<semaphore_mem>>)
      %dma_wait3A = arith.constant 0 : i32
      %dma_wait3A_16 = arith.constant 0 : i32
      %dma_wait3A_17 = tpu.memref_slice %arg2[%add3A, %dma_wait3A, %dma_wait3A_16] : memref<32x79x128xi32, #tpu.memory_space<hbm>> -> memref<1x79x128xi32, #tpu.memory_space<hbm>>
      %dma_wait3A_18 = tpu.memref_squeeze %dma_wait3A_17 : memref<1x79x128xi32, #tpu.memory_space<hbm>> -> memref<79x128xi32, #tpu.memory_space<hbm>>
      %dma_wait3A_19 = arith.constant 0 : i32
      %dma_wait3A_20 = arith.constant 0 : i32
      %dma_wait3A_21 = tpu.memref_slice %arg2[%add3A, %dma_wait3A_19, %dma_wait3A_20] : memref<32x79x128xi32, #tpu.memory_space<hbm>> -> memref<1x79x128xi32, #tpu.memory_space<hbm>>
      %dma_wait3A_22 = tpu.memref_squeeze %dma_wait3A_21 : memref<1x79x128xi32, #tpu.memory_space<hbm>> -> memref<79x128xi32, #tpu.memory_space<hbm>>
      tpu.wait_dma2 semaphore(%run_scoped3A : memref<!tpu.dma_semaphore, #tpu.memory_space<semaphore_mem>>) src(%dma_wait3A_22 : memref<79x128xi32, #tpu.memory_space<hbm>>) dst(%arg6 : memref<79x128xi32, #tpu.memory_space<vmem>>)
      tpu.yield
    }) : () -> ()
    "tpu.region"() ({
      %run_scoped3A = tpu.sem_alloc : memref<!tpu.dma_semaphore, #tpu.memory_space<semaphore_mem>>
      tpu.enqueue_dma source(%arg4 : memref<128x16xf32, #tpu.memory_space<hbm>>) target(%arg7 : memref<128x16xf32, #tpu.memory_space<vmem>>) target_semaphore(%run_scoped3A : memref<!tpu.dma_semaphore, #tpu.memory_space<semaphore_mem>>)
      tpu.wait_dma2 semaphore(%run_scoped3A : memref<!tpu.dma_semaphore, #tpu.memory_space<semaphore_mem>>) src(%arg4 : memref<128x16xf32, #tpu.memory_space<hbm>>) dst(%arg7 : memref<128x16xf32, #tpu.memory_space<vmem>>)
      tpu.yield
    }) : () -> ()
    %mul3A_1 = arith.constant 632 : i32
    %mul3A_2 = arith.muli %arg1, %mul3A_1 : i32
    "tpu.region"() ({
      %run_scoped3A = tpu.sem_alloc : memref<!tpu.dma_semaphore, #tpu.memory_space<semaphore_mem>>
      %dma_start3A = arith.constant 0 : i32
      %dma_start3A_9 = tpu.memref_slice %arg8[%mul3A_2, %dma_start3A] : memref<10112x16xf32, #tpu.memory_space<vmem_shared>> -> memref<632x16xf32, #tpu.memory_space<vmem_shared>>
      %dma_start3A_10 = arith.constant 0 : i32
      %dma_start3A_11 = tpu.memref_slice %arg3[%mul3A_2, %dma_start3A_10] : memref<10112x16xf32, #tpu.memory_space<hbm>> -> memref<632x16xf32, #tpu.memory_space<hbm>>
      tpu.enqueue_dma source(%dma_start3A_11 : memref<632x16xf32, #tpu.memory_space<hbm>>) target(%dma_start3A_9 : memref<632x16xf32, #tpu.memory_space<vmem_shared>>) target_semaphore(%run_scoped3A : memref<!tpu.dma_semaphore, #tpu.memory_space<semaphore_mem>>)
      %dma_wait3A = arith.constant 0 : i32
      %dma_wait3A_12 = tpu.memref_slice %arg8[%mul3A_2, %dma_wait3A] : memref<10112x16xf32, #tpu.memory_space<vmem_shared>> -> memref<632x16xf32, #tpu.memory_space<vmem_shared>>
      %dma_wait3A_13 = arith.constant 0 : i32
      %dma_wait3A_14 = tpu.memref_slice %arg3[%mul3A_2, %dma_wait3A_13] : memref<10112x16xf32, #tpu.memory_space<hbm>> -> memref<632x16xf32, #tpu.memory_space<hbm>>
      tpu.wait_dma2 semaphore(%run_scoped3A : memref<!tpu.dma_semaphore, #tpu.memory_space<semaphore_mem>>) src(%dma_wait3A_14 : memref<632x16xf32, #tpu.memory_space<hbm>>) dst(%dma_wait3A_12 : memref<632x16xf32, #tpu.memory_space<vmem_shared>>)
      tpu.yield
    }) : () -> ()
    %barrier3A = arith.constant 0 : index
    tpu.barrier barrier_id(%barrier3A)
    %scan3A = arith.constant 0 : i32
    %scan3A_3 = arith.constant 0 : i32
    %scan3A_4 = arith.constant 79 : i32
    %scan3A_5 = arith.addi %scan3A_3, %scan3A_4 : i32
    %scan3A_6 = arith.constant 1 : i32
    scf.for %scan3A_9 = %scan3A_3 to %scan3A_5 step %scan3A_6  : i32 {
      "tpu.region"() ({
        %run_scoped3A = tpu.sem_alloc : memref<!tpu.dma_semaphore, #tpu.memory_space<semaphore_mem>>
        %dma_start3A = arith.constant 0 : i32
        %dma_start3A_10 = tpu.memref_slice %arg6[%scan3A_9, %dma_start3A] : memref<79x128xi32, #tpu.memory_space<vmem>> -> memref<1x128xi32, #tpu.memory_space<vmem>>
        %dma_start3A_11 = tpu.memref_squeeze %dma_start3A_10 : memref<1x128xi32, #tpu.memory_space<vmem>> -> memref<128xi32, #tpu.memory_space<vmem>>
        %dma_start3A_12 = arith.constant 0 : i32
        %dma_start3A_13 = arith.constant 0 : i32
        %dma_start3A_14 = tpu.memref_slice %arg8[%dma_start3A_12, %dma_start3A_13] : memref<10112x16xf32, #tpu.memory_space<vmem_shared>> -> memref<10112x16xf32, #tpu.memory_space<vmem_shared>>
        tpu.enqueue_indirect_dma source(%arg7 : memref<128x16xf32, #tpu.memory_space<vmem>>) target(%dma_start3A_14 : memref<10112x16xf32, #tpu.memory_space<vmem_shared>>) offsets(%dma_start3A_11 : memref<128xi32, #tpu.memory_space<vmem>>) semaphore(%run_scoped3A : memref<!tpu.dma_semaphore, #tpu.memory_space<semaphore_mem>>) {add = true}
        %dma_wait3A = arith.constant 0 : i32
        %dma_wait3A_15 = tpu.memref_slice %arg6[%scan3A_9, %dma_wait3A] : memref<79x128xi32, #tpu.memory_space<vmem>> -> memref<1x128xi32, #tpu.memory_space<vmem>>
        %dma_wait3A_16 = tpu.memref_squeeze %dma_wait3A_15 : memref<1x128xi32, #tpu.memory_space<vmem>> -> memref<128xi32, #tpu.memory_space<vmem>>
        %dma_wait3A_17 = arith.constant 0 : i32
        %dma_wait3A_18 = arith.constant 0 : i32
        %dma_wait3A_19 = tpu.memref_slice %arg8[%dma_wait3A_17, %dma_wait3A_18] : memref<10112x16xf32, #tpu.memory_space<vmem_shared>> -> memref<10112x16xf32, #tpu.memory_space<vmem_shared>>
        tpu.wait_indirect_dma semaphore(%run_scoped3A : memref<!tpu.dma_semaphore, #tpu.memory_space<semaphore_mem>>) src(%arg7 : memref<128x16xf32, #tpu.memory_space<vmem>>) dst(%dma_wait3A_19 : memref<10112x16xf32, #tpu.memory_space<vmem_shared>>)
        tpu.yield
      }) : () -> ()
    }
    %scan3A_7 = arith.constant 79 : i32
    %barrier3A_8 = arith.constant 0 : index
    tpu.barrier barrier_id(%barrier3A_8)
    "tpu.region"() ({
      %run_scoped3A = tpu.sem_alloc : memref<!tpu.dma_semaphore, #tpu.memory_space<semaphore_mem>>
      %dma_start3A = arith.constant 0 : i32
      %dma_start3A_9 = tpu.memref_slice %arg5[%arg0, %mul3A_2, %dma_start3A] : memref<2x10112x16xf32, #tpu.memory_space<hbm>> -> memref<1x632x16xf32, #tpu.memory_space<hbm>>
      %dma_start3A_10 = tpu.memref_squeeze %dma_start3A_9 : memref<1x632x16xf32, #tpu.memory_space<hbm>> -> memref<632x16xf32, #tpu.memory_space<hbm>>
      %dma_start3A_11 = arith.constant 0 : i32
      %dma_start3A_12 = tpu.memref_slice %arg8[%mul3A_2, %dma_start3A_11] : memref<10112x16xf32, #tpu.memory_space<vmem_shared>> -> memref<632x16xf32, #tpu.memory_space<vmem_shared>>
      tpu.enqueue_dma source(%dma_start3A_12 : memref<632x16xf32, #tpu.memory_space<vmem_shared>>) target(%dma_start3A_10 : memref<632x16xf32, #tpu.memory_space<hbm>>) target_semaphore(%run_scoped3A : memref<!tpu.dma_semaphore, #tpu.memory_space<semaphore_mem>>)
      %dma_wait3A = arith.constant 0 : i32
      %dma_wait3A_13 = tpu.memref_slice %arg5[%arg0, %mul3A_2, %dma_wait3A] : memref<2x10112x16xf32, #tpu.memory_space<hbm>> -> memref<1x632x16xf32, #tpu.memory_space<hbm>>
      %dma_wait3A_14 = tpu.memref_squeeze %dma_wait3A_13 : memref<1x632x16xf32, #tpu.memory_space<hbm>> -> memref<632x16xf32, #tpu.memory_space<hbm>>
      %dma_wait3A_15 = arith.constant 0 : i32
      %dma_wait3A_16 = tpu.memref_slice %arg8[%mul3A_2, %dma_wait3A_15] : memref<10112x16xf32, #tpu.memory_space<vmem_shared>> -> memref<632x16xf32, #tpu.memory_space<vmem_shared>>
      tpu.wait_dma2 semaphore(%run_scoped3A : memref<!tpu.dma_semaphore, #tpu.memory_space<semaphore_mem>>) src(%dma_wait3A_16 : memref<632x16xf32, #tpu.memory_space<vmem_shared>>) dst(%dma_wait3A_14 : memref<632x16xf32, #tpu.memory_space<hbm>>)
      tpu.yield
    }) : () -> ()
    return
  }
}

module attributes {stable_mosaic.version = 14 : i64} {
  func.func @_tc_matmul(%arg0: memref<10112x128xf32, #tpu.memory_space<vmem>>, %arg1: memref<16x128xf32, #tpu.memory_space<vmem>>, %arg2: memref<10112x16xf32, #tpu.memory_space<vmem>>) attributes {dimension_semantics = [], scalar_prefetch = 0 : i64, scratch_operands = 0 : i64, tpu.core_type = #tpu.core_type<tc>} {
    %get3A = arith.constant 0 : index
    %get3A_0 = arith.constant 0 : index
    %get3A_1 = vector.load %arg0[%get3A, %get3A_0] : memref<10112x128xf32, #tpu.memory_space<vmem>>, vector<10112x128xf32>
    %get3A_2 = arith.constant 0 : index
    %get3A_3 = arith.constant 0 : index
    %get3A_4 = vector.load %arg1[%get3A_2, %get3A_3] : memref<16x128xf32, #tpu.memory_space<vmem>>, vector<16x128xf32>
    %dot_general3A = arith.constant dense<0.000000e+00> : vector<10112x16xf32>
    %dot_general3A_5 = tpu.matmul %get3A_1, %get3A_4, %dot_general3A {dimension_numbers = #tpu.dot_dimension_numbers<[1], [1], [0], [0], [0, 0, 1, 0], [], []>, transpose_lhs_hint = false} : vector<10112x128xf32>, vector<16x128xf32>, vector<10112x16xf32> -> vector<10112x16xf32>
    %swap3A = arith.constant 0 : index
    %swap3A_6 = arith.constant 0 : index
    %swap3A_7 = vector.load %arg2[%swap3A, %swap3A_6] : memref<10112x16xf32, #tpu.memory_space<vmem>>, vector<10112x16xf32>
    tpu.vector_store %arg2[%swap3A, %swap3A_6], %dot_general3A_5 {strides = array<i32>} : memref<10112x16xf32, #tpu.memory_space<vmem>>, vector<10112x16xf32>,
    return
  }
}

module attributes {stable_mosaic.version = 14 : i64} {
  func.func @_tc_prep(%arg0: memref<10112x16xf32, #tpu.memory_space<vmem>>, %arg1: memref<10112x16xf32, #tpu.memory_space<vmem>>, %arg2: memref<10112x16xf32, #tpu.memory_space<vmem>>, %arg3: memref<10112x16xf32, #tpu.memory_space<vmem>>, %arg4: memref<10112x16xf32, #tpu.memory_space<vmem>>) attributes {dimension_semantics = [], scalar_prefetch = 0 : i64, scratch_operands = 0 : i64, tpu.core_type = #tpu.core_type<tc>} {
    %get3A = arith.constant 0 : index
    %get3A_0 = arith.constant 0 : index
    %get3A_1 = vector.load %arg0[%get3A, %get3A_0] : memref<10112x16xf32, #tpu.memory_space<vmem>>, vector<10112x16xf32>
    %get3A_2 = arith.constant 0 : index
    %get3A_3 = arith.constant 0 : index
    %get3A_4 = vector.load %arg1[%get3A_2, %get3A_3] : memref<10112x16xf32, #tpu.memory_space<vmem>>, vector<10112x16xf32>
    %add3A = arith.addf %get3A_1, %get3A_4 : vector<10112x16xf32>
    %add3A_5 = arith.constant 1.000000e+00 : f32
    %add3A_6 = vector.broadcast %add3A_5 : f32 to vector<10112x16xf32>
    %add3A_7 = arith.addf %add3A, %add3A_6 : vector<10112x16xf32>
    %rsqrt3A = math.rsqrt %add3A_7 : vector<10112x16xf32>
    %swap3A = arith.constant 0 : index
    %swap3A_8 = arith.constant 0 : index
    %swap3A_9 = vector.load %arg4[%swap3A, %swap3A_8] : memref<10112x16xf32, #tpu.memory_space<vmem>>, vector<10112x16xf32>
    tpu.vector_store %arg4[%swap3A, %swap3A_8], %rsqrt3A {strides = array<i32>} : memref<10112x16xf32, #tpu.memory_space<vmem>>, vector<10112x16xf32>,
    %get3A_10 = arith.constant 0 : index
    %get3A_11 = arith.constant 0 : index
    %get3A_12 = vector.load %arg2[%get3A_10, %get3A_11] : memref<10112x16xf32, #tpu.memory_space<vmem>>, vector<10112x16xf32>
    %mul3A = arith.mulf %get3A_12, %rsqrt3A : vector<10112x16xf32>
    %swap3A_13 = arith.constant 0 : index
    %swap3A_14 = arith.constant 0 : index
    %swap3A_15 = vector.load %arg3[%swap3A_13, %swap3A_14] : memref<10112x16xf32, #tpu.memory_space<vmem>>, vector<10112x16xf32>
    tpu.vector_store %arg3[%swap3A_13, %swap3A_14], %mul3A {strides = array<i32>} : memref<10112x16xf32, #tpu.memory_space<vmem>>, vector<10112x16xf32>,
    return
  }
}

module attributes {stable_mosaic.version = 14 : i64} {
  func.func @_tc_mid(%arg0: memref<10112x16xf32, #tpu.memory_space<vmem>>, %arg1: memref<10112x16xf32, #tpu.memory_space<vmem>>, %arg2: memref<10112x16xf32, #tpu.memory_space<vmem>>, %arg3: memref<10112x16xf32, #tpu.memory_space<vmem>>, %arg4: memref<10112x16xf32, #tpu.memory_space<vmem>>, %arg5: memref<10112x16xf32, #tpu.memory_space<vmem>>) attributes {dimension_semantics = [], scalar_prefetch = 0 : i64, scratch_operands = 0 : i64, tpu.core_type = #tpu.core_type<tc>} {
    %get3A = arith.constant 0 : index
    %get3A_0 = arith.constant 0 : index
    %get3A_1 = vector.load %arg3[%get3A, %get3A_0] : memref<10112x16xf32, #tpu.memory_space<vmem>>, vector<10112x16xf32>
    %get3A_2 = arith.constant 0 : index
    %get3A_3 = arith.constant 0 : index
    %get3A_4 = vector.load %arg0[%get3A_2, %get3A_3] : memref<10112x16xf32, #tpu.memory_space<vmem>>, vector<10112x16xf32>
    %get3A_5 = arith.constant 0 : index
    %get3A_6 = arith.constant 0 : index
    %get3A_7 = vector.load %arg1[%get3A_5, %get3A_6] : memref<10112x16xf32, #tpu.memory_space<vmem>>, vector<10112x16xf32>
    %add3A = arith.addf %get3A_4, %get3A_7 : vector<10112x16xf32>
    %mul3A = arith.mulf %get3A_1, %add3A : vector<10112x16xf32>
    %mul3A_8 = arith.mulf %get3A_1, %get3A_1 : vector<10112x16xf32>
    %get3A_9 = arith.constant 0 : index
    %get3A_10 = arith.constant 0 : index
    %get3A_11 = vector.load %arg2[%get3A_9, %get3A_10] : memref<10112x16xf32, #tpu.memory_space<vmem>>, vector<10112x16xf32>
    %mul3A_12 = arith.mulf %mul3A_8, %get3A_11 : vector<10112x16xf32>
    %add3A_13 = arith.addf %mul3A, %mul3A_12 : vector<10112x16xf32>
    %swap3A = arith.constant 0 : index
    %swap3A_14 = arith.constant 0 : index
    %swap3A_15 = vector.load %arg4[%swap3A, %swap3A_14] : memref<10112x16xf32, #tpu.memory_space<vmem>>, vector<10112x16xf32>
    tpu.vector_store %arg4[%swap3A, %swap3A_14], %add3A_13 {strides = array<i32>} : memref<10112x16xf32, #tpu.memory_space<vmem>>, vector<10112x16xf32>,
    %mul3A_16 = arith.mulf %get3A_1, %add3A_13 : vector<10112x16xf32>
    %swap3A_17 = arith.constant 0 : index
    %swap3A_18 = arith.constant 0 : index
    %swap3A_19 = vector.load %arg5[%swap3A_17, %swap3A_18] : memref<10112x16xf32, #tpu.memory_space<vmem>>, vector<10112x16xf32>
    tpu.vector_store %arg5[%swap3A_17, %swap3A_18], %mul3A_16 {strides = array<i32>} : memref<10112x16xf32, #tpu.memory_space<vmem>>, vector<10112x16xf32>,
    return
  }
}

module attributes {stable_mosaic.version = 14 : i64} {
  func.func @_tc_final(%arg0: memref<10112x16xf32, #tpu.memory_space<vmem>>, %arg1: memref<10112x16xf32, #tpu.memory_space<vmem>>, %arg2: memref<10112x16xf32, #tpu.memory_space<vmem>>, %arg3: memref<10112x16xf32, #tpu.memory_space<vmem>>, %arg4: memref<1x16xf32, #tpu.memory_space<vmem>>, %arg5: memref<10112x16xf32, #tpu.memory_space<vmem>>) attributes {dimension_semantics = [], scalar_prefetch = 0 : i64, scratch_operands = 0 : i64, tpu.core_type = #tpu.core_type<tc>} {
    %get3A = arith.constant 0 : index
    %get3A_0 = arith.constant 0 : index
    %get3A_1 = vector.load %arg3[%get3A, %get3A_0] : memref<10112x16xf32, #tpu.memory_space<vmem>>, vector<10112x16xf32>
    %get3A_2 = arith.constant 0 : index
    %get3A_3 = arith.constant 0 : index
    %get3A_4 = vector.load %arg0[%get3A_2, %get3A_3] : memref<10112x16xf32, #tpu.memory_space<vmem>>, vector<10112x16xf32>
    %get3A_5 = arith.constant 0 : index
    %get3A_6 = arith.constant 0 : index
    %get3A_7 = vector.load %arg1[%get3A_5, %get3A_6] : memref<10112x16xf32, #tpu.memory_space<vmem>>, vector<10112x16xf32>
    %add3A = arith.addf %get3A_4, %get3A_7 : vector<10112x16xf32>
    %mul3A = arith.mulf %get3A_1, %add3A : vector<10112x16xf32>
    %mul3A_8 = arith.mulf %get3A_1, %get3A_1 : vector<10112x16xf32>
    %get3A_9 = arith.constant 0 : index
    %get3A_10 = arith.constant 0 : index
    %get3A_11 = vector.load %arg2[%get3A_9, %get3A_10] : memref<10112x16xf32, #tpu.memory_space<vmem>>, vector<10112x16xf32>
    %mul3A_12 = arith.mulf %mul3A_8, %get3A_11 : vector<10112x16xf32>
    %add3A_13 = arith.addf %mul3A, %mul3A_12 : vector<10112x16xf32>
    %get3A_14 = arith.constant 0 : index
    %get3A_15 = arith.constant 0 : index
    %get3A_16 = vector.load %arg4[%get3A_14, %get3A_15] : memref<1x16xf32, #tpu.memory_space<vmem>>, vector<1x16xf32>
    %add3A_17 = vector.broadcast %get3A_16 : vector<1x16xf32> to vector<10112x16xf32>
    %add3A_18 = arith.addf %add3A_13, %add3A_17 : vector<10112x16xf32>
    %reduce_max3A = arith.constant dense<0xFF800000> : vector<10112xf32>
    %reduce_max3A_19 = vector.multi_reduction <maximumf>, %add3A_18, %reduce_max3A [1] : vector<10112x16xf32> to vector<10112xf32>
    %broadcast_in_dim3A = vector.shape_cast %reduce_max3A_19 : vector<10112xf32> to vector<10112x1xf32>
    %sub3A = vector.broadcast %broadcast_in_dim3A : vector<10112x1xf32> to vector<10112x16xf32>
    %sub3A_20 = arith.subf %add3A_18, %sub3A : vector<10112x16xf32>
    %exp3A = math.exp %sub3A_20 : vector<10112x16xf32>
    %reduce_sum3A = arith.constant dense<0.000000e+00> : vector<10112xf32>
    %reduce_sum3A_21 = vector.multi_reduction <add>, %exp3A, %reduce_sum3A [1] : vector<10112x16xf32> to vector<10112xf32>
    %broadcast_in_dim3A_22 = vector.shape_cast %reduce_sum3A_21 : vector<10112xf32> to vector<10112x1xf32>
    %log3A = math.log %broadcast_in_dim3A_22 : vector<10112x1xf32>
    %sub3A_23 = vector.broadcast %log3A : vector<10112x1xf32> to vector<10112x16xf32>
    %sub3A_24 = arith.subf %sub3A_20, %sub3A_23 : vector<10112x16xf32>
    %swap3A = arith.constant 0 : index
    %swap3A_25 = arith.constant 0 : index
    %swap3A_26 = vector.load %arg5[%swap3A, %swap3A_25] : memref<10112x16xf32, #tpu.memory_space<vmem>>, vector<10112x16xf32>
    tpu.vector_store %arg5[%swap3A, %swap3A_25], %sub3A_24 {strides = array<i32>} : memref<10112x16xf32, #tpu.memory_space<vmem>>, vector<10112x16xf32>,
    return
  }
}

</mosaic_0001>

<sc_bundles>
// kernel: kernel.12.cloned.1.call-start
scs
__scs_entry_jumppad:
0x0: {  	(pc) =	sbr.rel $0x88, $3  }
0x1: {  	(tag) =	ssettag $0x0;
	lr =	simm.s32 $0x1  }
0x2: {  	[smem:$0x3F9D] =	sst lr;
	_ =	strace $0xD0000000  }
0x3: {  	_ = 	snop  }
0x4: {  	_ = 	snop  }
0x5: {  	_ = 	snop  }
0x6: {  	_ = 	snop  }
0x7: {  	_ = 	snop  }
__scs_overlays_trampoline_lowered:
0x8: {  	[smem:$0x3FAC] =	sst s0  }
0x9: {  	[smem:$0x3FAD] =	sst s1  }
0xa: {  	[smem:$0x3FAE] =	sst s2  }
0xb: {  	[smem:$0x3FAF] =	sst s3  }
0xc: {  	[smem:$0x3FB0] =	sst s4  }
0xd: {  	[smem:$0x3FB1] =	sst s5  }
0xe: {  	[smem:$0x3FB2] =	sst s6  }
0xf: {  	[smem:$0x3FB3] =	sst s7  }
0x10: {  	[smem:$0x3FB4] =	sst s8  }
0x11: {  	[smem:$0x3FB5] =	sst s9;
	s0 =	simm.s32 @!p0 $0x0  }
0x12: {  	s1 =	sld [smem:$0x3F9B];
	s0 =	simm.s32 @p0 $0x1  }
0x13: {  	[smem:$0x3FB6] =	sst s0;
	s0 =	simm.s32 @!p1 $0x0  }
0x14: {  	s2 =	sld [smem:$0x3F9A];
	s0 =	simm.s32 @p1 $0x1  }
0x15: {  	[smem:$0x3FB7] =	sst s0;
	s0 =	simm.s32 @!p2 $0x0  }
0x16: {  	s3 =	sld [smem:$0x3FDB];
	s0 =	simm.s32 @p2 $0x1  }
0x17: {  	s4 =	simm.s32 $0x1BF5;
	[smem:$0x3FB9] =	sst s0  }
0x18: {  	s0 =	sld [smem:$0x3F9C];
	_ =	swait.ge [sflag:s4], $0x0  }
0x19: {  	s7 =	sld [smem:$0x3F9D]  }
0x1a: {  	s8 =	sadd.s32 $0xFFFFE003, lr  }
0x1b: {  	s9 =	sadd.s32 $0xFFFFFEF7, lr;
	s5 =	simm.s32 $0xFFFFFFFF;
	p2 =	slt.u32 s8, $0xFFFFF086  }
0x1c: {  	p1 =	slt.u32 s9, $0xF7A;
	s5 =	simm.s32 @!p2 $0x0  }
0x1d: {  	s5 =	simm.s32 @p1 $0x1;
	p0 =	seq.s32 s7, s2  }
0x1e: {  	s7 =	smul.u32 @!p0 $0xF7A, s2;
	p2 =	seq.s32 @!p0 s5, $0x0  }
0x1f: {  	s9 =	smul.u32 $0xF7A, s1;
	s8 =	simm.s32 @!p0 $0x1BF5;
	p2 =	por !p2, p0  }
0x20: {  	[sflag:s8] =	ssyncset.s32 @!p0 $0xFFFFF086;
	s6 =	sadd.s32 @!p0 s3, s7;
	s7 =	simm.s32 @!p0 $0x108  }
0x21: {  	s3 =	sadd.s32 s3, s9;
	s6 =	sadd.s32 @!p0 $0x88, s6;
	s7 =	simm.s32 @p2 $0x1082  }
0x22: {  	[simem:s7], [sflag:s8] =	dma.local @!p0 [hbm:s6], $0xF7A  }
0x23: {  	s9 =	sor.u32 $0xD0000000, s2;
	s6 =	simm.s32 $0x108;
	_ =	swait.ge @!p0 [sflag:s8], $0x0  }
0x24: {  	s3 =	sadd.s32 $0x88, s3;
	s6 =	simm.s32 @!p1 $0x1082;
	[sflag:s4] =	ssyncset.s32 $0xFFFFF086  }
0x25: {  	[simem:s6], [sflag:s4] =	dma.local [hbm:s3], $0xF7A  }
0x26: {  	[smem:$0x3F9D] =	sst s1;
	(tag) =	ssettag s2;
	_ =	strace s9  }
0x27: {  	s1 =	sld [smem:$0x3FAD]  }
0x28: {  	s2 =	sld [smem:$0x3FAE]  }
0x29: {  	s4 =	sld [smem:$0x3FB0]  }
0x2a: {  	p0 =	seq.s32 s5, $0x0;
	s5 =	sld [smem:$0x3FB1]  }
0x2b: {  	s6 =	sld [smem:$0x3FB2]  }
0x2c: {  	s7 =	sld [smem:$0x3FB3]  }
0x2d: {  	s3 =	simm.s32 $0x108;
	s8 =	sld [smem:$0x3FB4]  }
0x2e: {  	s3 =	simm.s32 @!p0 $0x1082;
	s9 =	sld [smem:$0x3FB5]  }
0x2f: {  	lr =	sadd.s32 s0, s3;
	s0 =	sld [smem:$0x3FAC]  }
0x30: {  	s3 =	sld [smem:$0x3FAF]  }
0x31: {  	[smem:$0x3FB8] =	sst s10  }
0x32: {  	s10 =	sld [smem:$0x3FB6];
	_ =	sdelay $0x3  }
0x33: {  	p0 =	seq.s32 s10, $0x1;
	s10 =	sld [smem:$0x3FB8];
	_ =	sdelay $0x3  }
0x34: {  	[smem:$0x3FB8] =	sst s10  }
0x35: {  	s10 =	sld [smem:$0x3FB7];
	_ =	sdelay $0x3  }
0x36: {  	p1 =	seq.s32 s10, $0x1;
	s10 =	sld [smem:$0x3FB8];
	_ =	sdelay $0x3  }
0x37: {  	[smem:$0x3FB8] =	sst s10  }
0x38: {  	s10 =	sld [smem:$0x3FB9]  }
0x39: {  	_ = 	snop;
	(pc) =	sbr.ind lr, $3  }
0x3a: {  	_ = 	snop  }
0x3b: {  	_ = 	snop  }
0x3c: {  	p2 =	seq.s32 s10, $0x1;
	s10 =	sld [smem:$0x3FB8]  }
0x3d: {  	_ =	shalt  }
0x3e: {  	_ =	shalt  }
0x3f: {  	_ =	shalt  }
0x40: {  	_ =	shalt  }
0x41: {  	_ =	shalt  }
0x42: {  	_ =	shalt  }
0x43: {  	_ =	shalt  }
0x44: {  	_ =	shalt  }
0x45: {  	_ =	shalt  }
0x46: {  	_ =	shalt  }
0x47: {  	_ =	shalt  }
0x48: {  	_ =	shalt  }
0x49: {  	_ =	shalt  }
0x4a: {  	_ =	shalt  }
0x4b: {  	_ =	shalt  }
0x4c: {  	_ =	shalt  }
0x4d: {  	_ =	shalt  }
0x4e: {  	_ =	shalt  }
0x4f: {  	_ =	shalt  }
0x50: {  	_ =	shalt  }
0x51: {  	_ =	shalt  }
0x52: {  	_ =	shalt  }
0x53: {  	_ =	shalt  }
0x54: {  	_ =	shalt  }
0x55: {  	_ =	shalt  }
0x56: {  	_ =	shalt  }
0x57: {  	_ =	shalt  }
0x58: {  	_ =	shalt  }
0x59: {  	_ =	shalt  }
0x5a: {  	_ =	shalt  }
0x5b: {  	_ =	shalt  }
0x5c: {  	_ =	shalt  }
0x5d: {  	_ =	shalt  }
0x5e: {  	_ =	shalt  }
0x5f: {  	_ =	shalt  }
0x60: {  	_ =	shalt  }
0x61: {  	_ =	shalt  }
0x62: {  	_ =	shalt  }
0x63: {  	_ =	shalt  }
0x64: {  	_ =	shalt  }
0x65: {  	_ =	shalt  }
0x66: {  	_ =	shalt  }
0x67: {  	_ =	shalt  }
0x68: {  	_ =	shalt  }
0x69: {  	_ =	shalt  }
0x6a: {  	_ =	shalt  }
0x6b: {  	_ =	shalt  }
0x6c: {  	_ =	shalt  }
0x6d: {  	_ =	shalt  }
0x6e: {  	_ =	shalt  }
0x6f: {  	_ =	shalt  }
0x70: {  	_ =	shalt  }
0x71: {  	_ =	shalt  }
0x72: {  	_ =	shalt  }
0x73: {  	_ =	shalt  }
0x74: {  	_ =	shalt  }
0x75: {  	_ =	shalt  }
0x76: {  	_ =	shalt  }
0x77: {  	_ =	shalt  }
0x78: {  	_ =	shalt  }
0x79: {  	_ =	shalt  }
0x7a: {  	_ =	shalt  }
0x7b: {  	_ =	shalt  }
0x7c: {  	_ =	shalt  }
0x7d: {  	_ =	shalt  }
0x7e: {  	_ =	shalt  }
0x7f: {  	_ =	shalt  }
0x80: {  	_ =	shalt  }
0x81: {  	_ =	shalt  }
0x82: {  	_ =	shalt  }
0x83: {  	_ =	shalt  }
0x84: {  	_ =	shalt  }
0x85: {  	_ =	shalt  }
0x86: {  	_ =	shalt  }
0x87: {  	_ =	shalt  }
.Lfunc_end0:
.L_simem_size_0:
called_computation.1_lowered:
.L_overlay_start_0:
0x88: {  	s2 =	sld [smem:$0x3FD9]  }
0x89: {  	s3 =	sld [smem:$0x3FFE];
	_ =	sdelay $0x1  }
0x8a: {  	s1 =	srdreg.scid  }
0x8b: {  	s0 =	sand.u32 $0x1, s1  }
0x8c: {  	s16 =	sshll.u32 s0, $0xA;
	s2 =	sadd.s32 s3, s2  }
0x8d: {  	s2 =	sadd.s32 s2, s16  }
0x8e: {  	[smem:$0x3FC4] =	sst s2  }
0x8f: {  	_ = 	snop  }
0x90: {  	(tm) =	ssettm $0x1  }
0x91: {  	s17 =	sld [smem:$0x3FFB];
	_ =	sdelay $0x3  }
0x92: {  	_ =	strace s17  }
0x93: {  	s2 =	sld [smem:$0x3FFC];
	_ =	sdelay $0x3  }
0x94: {  	_ =	strace s2  }
0x95: {  	s2 =	sld [smem:$0x3FFD];
	_ =	sdelay $0x3  }
0x96: {  	_ =	strace s2  }
0x97: {  	_ =	strace $0x8FFFFFFF  }
0x98: {  	s18 =	sld [smem:$0x3FDB];
	_ =	sdelay $0x1  }
0x99: {  	s19 =	simm.s32 $_scs_section_size  }
0x9a: {  	s4 =	simm.s32 $_size__tile_overlayer_lowered;
	s5 =	simm.s32 $_tile_overlayer_lowered  }
0x9b: {  	s22 =	simm.s32 $0x1BFF;
	s21 =	sshll.u32 s5, $0x1;
	s2 =	sadd.s32 s19, s18  }
0x9c: {  	s6 =	simm.s32 $0x0;
	s20 =	sshll.u32 s4, $0x1;
	s4 =	sadd.s32 s21, s2  }
0x9d: {  	[timem:s6], [sflag:s22] =	dma.local [hbm:s4], s20  }
0x9e: {  	_ =	swait.ge [sflag:s22], s20  }
0x9f: {  	s3 =	ssub.s32 $0x0, s20;
	[sflag:s22] =	ssyncset.done $0x0  }
0xa0: {  	[sflag:s22] =	ssyncadd.s32 s3;
	_ =	sdelay $0x1  }
0xa1: {  	s23 =	simm.s32 $0x1B8B  }
0xa2: {  	_ =	swait.ge [sflag:s23], $0x1  }
0xa3: {  	[sflag:s23] =	ssyncset.done $0x0  }
0xa4: {  	s25 =	simm.s32 $0x1B8E;
	s24 =	sld [smem:$0x3FFE];
	[sflag:s23] =	ssyncadd.s32 $0xFFFFFFFF  }
0xa5: {  	s26 =	simm.s32 $execute0_lowered;
	[smem:$0x3FD2] =	sst s25  }
0xa6: {  	s4 =	sshll.u32 s26, $0x1;
	_ =	strace $0x80000049;
	[dreg:$0x1] =	wrdreg $0xFFFFFFFF  }
0xa7: {  	s28 =	simm.s32 $_size_execute0_lowered;
	s2 =	sadd.s32 s2, s4;
	[dreg:$0x0] =	wrdreg $0x0  }
0xa8: {  	s4 =	sshll.u32 s28, $0x1;
	[dreg:$0x2] =	wrdreg s2  }
0xa9: {  	[dreg:$0x3] =	wrdreg s4  }
0xaa: {  	[dreg:$0x4] =	wrdreg $0xC0  }
0xab: {  	_ =	task [dreg:s6], $0x5FFFF  }
0xac: {  	[dreg:$0x1] =	wrdreg $0xFFFFFFFF  }
0xad: {  	[dreg:$0x0] =	wrdreg $0x60  }
0xae: {  	[dreg:$0x2] =	wrdreg s24  }
0xaf: {  	[dreg:$0x3] =	wrdreg $0x90000  }
0xb0: {  	[dreg:$0x4] =	wrdreg $0xB7800  }
0xb1: {  	[dreg:$0x5] =	wrdreg $0x9  }
0xb2: {  	_ =	task.clear_ibuf [dreg:s6], $0x6FFFF;
	_ =	strace $0x90000049  }
0xb3: {  	s29 =	simm.s32 $0x9;
	_ =	strace $0x8000004B  }
0xb4: {  	_ =	swait.ge [sflag:s29], $0x1  }
0xb5: {  	[sflag:s29] =	ssyncadd.s32 $0xFFFFFFFF  }
0xb6: {  	_ =	strace $0x9000004B  }
0xb7: {  	_ =	sfence  }
0xb8: {  	s30 =	sld [smem:$0x0];
	_ =	sdelay $0x2  }
0xb9: {  	s31 =	sshll.u32 s1, $0xD;
	s1 =	sshrl.u32 s1, $0x2  }
0xba: {  	s3 =	sand.u32 $0x4000, s31;
	s1 =	sadd.s32 s1, s30  }
0xbb: {  	s0 =	sor.u32 s3, s0;
	s1 =	sshll.u32 s1, $0x11  }
0xbc: {  	s0 =	sor.u32 s1, s0  }
0xbd: {  	s0 =	sadd.s32 $0x8F2B, s0  }
0xbe: {  	[sflag:s0] =	ssyncadd.remote.s32 $0x1  }
0xbf: {  	_ =	sfence.sel $0xFFFF  }
0xc0: {  	[dreg:$0x0] =	wrdreg $0xFFFFFFFF;
	(pc) =	sbr.abs _section_cstart, $3  }
0xc1: {  	[dreg:$0x1] =	wrdreg $0xFFFFFFFF  }
0xc2: {  	_ =	task.clear_ibuf [dreg:s6], $0x2FFFF;
	_ =	strace $0x9FFFFFFF  }
0xc3: {  	(tm) =	ssettm $0x7FFFFFFF  }
tec
execute0_lowered:
.L_overlay_start_1:
0x0: {  	(tag) =	ssettag $0x1  }
0x1: {  	s5 =	rddreg [dreg:$0x0]  }
0x2: {  	s1 =	srdreg.scid;
	s2 =	rddreg [dreg:$0x1]  }
0x3: {  	s0 =	stileid.u32;
	s3 =	rddreg [dreg:$0x2];
	s4 =	simm.s32 $0x0  }
0x4: {  	s12 =	simm.s32 $0x2800;
	s16 =	simm.s32 $0x80;
	s17 =	simm.s32 $0x5000  }
0x5: {  	s18 =	simm.s32 $0x1;
	s19 =	simm.s32 $0x0;
	s6 =	sand.u32 $0x1, s1  }
0x6: {  	s31 =	sshll.u32 s0, $0x1;
	s8 =	smul.u32 $0x13C00, s0;
	[smem:$0x7FF] =	sst s4  }
0x7: {  	s13 =	sshll.u32 s0, $0x6;
	s1 =	sor.u32 s6, s31;
	s9 =	smul.u32 $0x13C000, s6  }
0x8: {  	s6 =	ssub.s32 $0x2, s6;
	s13 =	sor.u32 $0x1C02, s13;
	s7 =	smul.u32 $0x500, s1  }
0x9: {  	s1 =	rddreg [dreg:$0x3];
	_ =	strace $0x8000004A;
	s10 =	sshrl.u32 s8, $0x3  }
0xa: {  	s11 =	sshrl.u32 s6, $0x1;
	s14 =	sadd.s32 s8, s2;
	s15 =	sadd.s32 s8, s3  }
0xb: {  	s9 =	sadd.s32 s8, s9;
	s10 =	sadd.s32 s10, s5;
	s11 =	ssub.s32 s6, s11  }
0xc: {  	s14 =	sshrl.u32 s14, $0x3;
	s15 =	sshrl.u32 s15, $0x3;
	s9 =	sshrl.u32 s9, $0x3  }
0xd: {  	s7 =	sadd.s32 s7, s5;
	s8 =	sadd.s32 $0xC200, s10;
	s9 =	sadd.s32 s9, s5  }
0xe: {  	s5 =	sadd.s32 $0x82A00, s7;
	s6 =	sadd.s32 $0x2200, s7;
	s7 =	sadd.s32 $0x33A00, s10  }
0xf: {  	s10 =	smax.u32 s11, $0x1;
	s11 =	simm.s32 $0x2;
	s9 =	sadd.s32 $0xB4200, s9  }
.LBB2_1:
0x10: {  	[tilespmem:s4], [sflag:$0x2] =	stream.linear.gather [hbm4b:s5+s4], $0x2780, $0x38;
	[tilespmem:$0xDF00] =	vst v63  }
0x11: {  	_ =	swait.ge [sflag:s11], $0x2780  }
0x12: {  	[sflag:s11] =	ssyncset.done $0x0  }
0x13: {  	[sflag:s11] =	ssyncadd.s32 $0xFFFFD880  }
0x14: {  	[tilespmem:s12], [sflag:$0x2] =	stream.linear.gather [hbm4b:s6+s4], $0x2780, $0x38;
	[tilespmem:$0xDF00] =	vst v63  }
0x15: {  	_ =	swait.ge [sflag:s11], $0x2780  }
0x16: {  	[sflag:s11] =	ssyncset.done $0x0  }
0x17: {  	[sflag:s11] =	ssyncadd.s32 $0xFFFFD880  }
0x18: {  	[spmem:s14], [sflag:s13] =	dma.local [hbm:s7], $0x2780  }
0x19: {  	_ =	swait.ge [sflag:s11], $0x2780  }
0x1a: {  	[sflag:s11] =	ssyncset.done $0x0  }
0x1b: {  	[sflag:s11] =	ssyncadd.s32 $0xFFFFD880  }
0x1c: {  	[spmem:s15], [sflag:s13] =	dma.local [hbm:s8], $0x2780  }
0x1d: {  	_ =	swait.ge [sflag:s11], $0x2780  }
0x1e: {  	[sflag:s11] =	ssyncset.done $0x0  }
0x1f: {  	[sflag:s11] =	ssyncadd.s32 $0xFFFFD880  }
0x20: {  	s20 =	simm.s32 $0x0;
	[bflag:$0x0] =	sbarrier.arrive $0xFFFF  }
0x21: {  	[tilespmem:s17], [sflag:$0x1] =	stream.indirect.gather [spmem:s2], $0x10, s20, s16, $0xb8;
	[tilespmem:$0xDF00] =	vst v63  }
0x22: {  	_ =	swait.ge [sflag:s18], $0x800  }
0x23: {  	[sflag:s18] =	ssyncset.done $0x0  }
0x24: {  	s31 =	simm.s32 $0x2800;
	[sflag:s18] =	ssyncadd.s32 $0xFFFFF800  }
0x25: {  	[spmem:s3] =	stream.indirect.scatter.add.f32 [tilespmem:s17], [sflag:$0x2], $0x10, s31, s16, $0xb8;
	[tilespmem:$0xDF00] =	vst v63  }
0x26: {  	_ =	swait.ge [sflag:s11], $0x800  }
0x27: {  	s21 =	simm.s32 $0x400;
	s20 =	simm.s32 $0x200;
	[sflag:s11] =	ssyncset.done $0x0  }
.LBB2_2:
0x28: {  	s22 =	sshra.s32 s20, $0x2  }
0x29: {  	[sflag:s11] =	ssyncadd.s32 $0xFFFFF800;
	s20 =	smov.u32 s21;
	s23 =	sadd.s32 $0x200, s21  }
0x2a: {  	[tilespmem:s17], [sflag:$0x1] =	stream.indirect.gather [spmem:s2], $0x10, s22, s16, $0xb8;
	[tilespmem:$0xDF00] =	vst v63  }
0x2b: {  	p0 =	sne.s32 s21, $0x9C00;
	_ =	swait.ge [sflag:s18], $0x800  }
.Ltmp0:
0x2c: {  	[sflag:s18] =	ssyncset.done $0x0;
	(pc) =	sbr.rel @p0 .LBB2_2-.Ltmp0, $4  }
0x2d: {  	s21 =	sadd.s32 $0x2800, s22;
	[sflag:s18] =	ssyncadd.s32 $0xFFFFF800  }
0x2e: {  	[spmem:s3] =	stream.indirect.scatter.add.f32 [tilespmem:s17], [sflag:$0x2], $0x10, s21, s16, $0xb8;
	[tilespmem:$0xDF00] =	vst v63  }
0x2f: {  	_ =	swait.ge [sflag:s11], $0x800  }
0x30: {  	s21 =	smov.u32 s23;
	[sflag:s11] =	ssyncset.done $0x0  }
0x31: {  	s20 =	sshra.s32 s20, $0x2;
	[sflag:s11] =	ssyncadd.s32 $0xFFFFF800  }
0x32: {  	[tilespmem:s17], [sflag:$0x1] =	stream.indirect.gather [spmem:s2], $0x10, s20, s16, $0xb8;
	[tilespmem:$0xDF00] =	vst v63  }
0x33: {  	_ =	swait.ge [sflag:s18], $0x800  }
0x34: {  	[sflag:s18] =	ssyncset.done $0x0  }
0x35: {  	s20 =	sadd.s32 $0x2800, s20;
	[sflag:s18] =	ssyncadd.s32 $0xFFFFF800  }
0x36: {  	[spmem:s3] =	stream.indirect.scatter.add.f32 [tilespmem:s17], [sflag:$0x2], $0x10, s20, s16, $0xb8;
	[tilespmem:$0xDF00] =	vst v63  }
0x37: {  	_ =	swait.ge [sflag:s11], $0x800  }
0x38: {  	s19 =	sadd.s32 $0x1, s19;
	[sflag:s11] =	ssyncset.done $0x0  }
0x39: {  	p0 =	sne.s32 s19, s10;
	[sflag:s11] =	ssyncadd.s32 $0xFFFFF800  }
.Ltmp1:
0x3a: {  	[bflag:$0x0] =	sbarrier.arrive $0xFFFF;
	(pc) =	sbr.rel @p0 .LBB2_1-.Ltmp1, $4  }
0x3b: {  	[hbm:s9], [sflag:s13] =	dma.local [spmem:s15], $0x2780  }
0x3c: {  	_ =	swait.ge [sflag:s11], $0x2780  }
0x3d: {  	[sflag:s11] =	ssyncset.done $0x0  }
0x3e: {  	[sflag:s11] =	ssyncadd.s32 $0xFFFFD880  }
0x3f: {  	_ =	sfence.sel $0x180000  }
0x40: {  	[bflag:$0x0] =	sbarrier.arrive $0xFFFF  }
0x41: {  	p0 =	sne.s32 s0, $0x0;
	_ =	strace $0x9000004A  }
0x42: {  	s0 =	sadd.s32 @!p0 $0x100000, s1;
	[bflag:$0x2] =	sbarrier.arrive $0xFFFF  }
0x43: {  	[sflag:s0] =	ssyncadd.tile.s32 @!p0 $0x1;
	_ =	shalt  }
.Lfunc_end2:
_tile_overlayer_lowered:
.L_overlay_start_2:
0x44: {  	(tag) =	ssettag $0x2  }
0x45: {  	s0 =	rddreg [dreg:$0x0];
	s2 =	stileid.u32  }
0x46: {  	s1 =	rddreg [dreg:$0x1];
	p0 =	sne.s32 s2, $0x0  }
0x47: {  	s3 =	rddreg [dreg:$0x2];
	[bflag:$0x3] =	sbarrier.arrive $0xFFFF;
	s2 =	simm.s32 @!p0 $0x1C02  }
0x48: {  	[timem:s3], [sflag:s2] =	dma.local @!p0 [hbm:s0], s1  }
0x49: {  	s0 =	simm.s32 @!p0 $0x2  }
0x4a: {  	_ =	swait.ge @!p0 [sflag:s0], s1  }
0x4b: {  	s1 =	ssub.s32 @!p0 $0x0, s1;
	[sflag:s0] =	ssyncset.done @!p0 $0x0  }
0x4c: {  	[sflag:s0] =	ssyncadd.s32 @!p0 s1  }
0x4d: {  	[bflag:$0x3] =	sbarrier.arrive $0xFFFF  }
0x4e: {  	_ =	shalt  }

// kernel: kernel.15.cloned.1.call-start
scs
__scs_entry_jumppad:
0x0: {  	(pc) =	sbr.rel $0x88, $3  }
0x1: {  	(tag) =	ssettag $0x0;
	lr =	simm.s32 $0x1  }
0x2: {  	[smem:$0x3F9D] =	sst lr;
	_ =	strace $0xD0000000  }
0x3: {  	_ = 	snop  }
0x4: {  	_ = 	snop  }
0x5: {  	_ = 	snop  }
0x6: {  	_ = 	snop  }
0x7: {  	_ = 	snop  }
__scs_overlays_trampoline_lowered:
0x8: {  	[smem:$0x3FAC] =	sst s0  }
0x9: {  	[smem:$0x3FAD] =	sst s1  }
0xa: {  	[smem:$0x3FAE] =	sst s2  }
0xb: {  	[smem:$0x3FAF] =	sst s3  }
0xc: {  	[smem:$0x3FB0] =	sst s4  }
0xd: {  	[smem:$0x3FB1] =	sst s5  }
0xe: {  	[smem:$0x3FB2] =	sst s6  }
0xf: {  	[smem:$0x3FB3] =	sst s7  }
0x10: {  	[smem:$0x3FB4] =	sst s8  }
0x11: {  	[smem:$0x3FB5] =	sst s9;
	s0 =	simm.s32 @!p0 $0x0  }
0x12: {  	s1 =	sld [smem:$0x3F9B];
	s0 =	simm.s32 @p0 $0x1  }
0x13: {  	[smem:$0x3FB6] =	sst s0;
	s0 =	simm.s32 @!p1 $0x0  }
0x14: {  	s2 =	sld [smem:$0x3F9A];
	s0 =	simm.s32 @p1 $0x1  }
0x15: {  	[smem:$0x3FB7] =	sst s0;
	s0 =	simm.s32 @!p2 $0x0  }
0x16: {  	s3 =	sld [smem:$0x3FDB];
	s0 =	simm.s32 @p2 $0x1  }
0x17: {  	s4 =	simm.s32 $0x1BF5;
	[smem:$0x3FB9] =	sst s0  }
0x18: {  	s0 =	sld [smem:$0x3F9C];
	_ =	swait.ge [sflag:s4], $0x0  }
0x19: {  	s7 =	sld [smem:$0x3F9D]  }
0x1a: {  	s8 =	sadd.s32 $0xFFFFE003, lr  }
0x1b: {  	s9 =	sadd.s32 $0xFFFFFEF7, lr;
	s5 =	simm.s32 $0xFFFFFFFF;
	p2 =	slt.u32 s8, $0xFFFFF086  }
0x1c: {  	p1 =	slt.u32 s9, $0xF7A;
	s5 =	simm.s32 @!p2 $0x0  }
0x1d: {  	s5 =	simm.s32 @p1 $0x1;
	p0 =	seq.s32 s7, s2  }
0x1e: {  	s7 =	smul.u32 @!p0 $0xF7A, s2;
	p2 =	seq.s32 @!p0 s5, $0x0  }
0x1f: {  	s9 =	smul.u32 $0xF7A, s1;
	s8 =	simm.s32 @!p0 $0x1BF5;
	p2 =	por !p2, p0  }
0x20: {  	[sflag:s8] =	ssyncset.s32 @!p0 $0xFFFFF086;
	s6 =	sadd.s32 @!p0 s3, s7;
	s7 =	simm.s32 @!p0 $0x108  }
0x21: {  	s3 =	sadd.s32 s3, s9;
	s6 =	sadd.s32 @!p0 $0x88, s6;
	s7 =	simm.s32 @p2 $0x1082  }
0x22: {  	[simem:s7], [sflag:s8] =	dma.local @!p0 [hbm:s6], $0xF7A  }
0x23: {  	s9 =	sor.u32 $0xD0000000, s2;
	s6 =	simm.s32 $0x108;
	_ =	swait.ge @!p0 [sflag:s8], $0x0  }
0x24: {  	s3 =	sadd.s32 $0x88, s3;
	s6 =	simm.s32 @!p1 $0x1082;
	[sflag:s4] =	ssyncset.s32 $0xFFFFF086  }
0x25: {  	[simem:s6], [sflag:s4] =	dma.local [hbm:s3], $0xF7A  }
0x26: {  	[smem:$0x3F9D] =	sst s1;
	(tag) =	ssettag s2;
	_ =	strace s9  }
0x27: {  	s1 =	sld [smem:$0x3FAD]  }
0x28: {  	s2 =	sld [smem:$0x3FAE]  }
0x29: {  	s4 =	sld [smem:$0x3FB0]  }
0x2a: {  	p0 =	seq.s32 s5, $0x0;
	s5 =	sld [smem:$0x3FB1]  }
0x2b: {  	s6 =	sld [smem:$0x3FB2]  }
0x2c: {  	s7 =	sld [smem:$0x3FB3]  }
0x2d: {  	s3 =	simm.s32 $0x108;
	s8 =	sld [smem:$0x3FB4]  }
0x2e: {  	s3 =	simm.s32 @!p0 $0x1082;
	s9 =	sld [smem:$0x3FB5]  }
0x2f: {  	lr =	sadd.s32 s0, s3;
	s0 =	sld [smem:$0x3FAC]  }
0x30: {  	s3 =	sld [smem:$0x3FAF]  }
0x31: {  	[smem:$0x3FB8] =	sst s10  }
0x32: {  	s10 =	sld [smem:$0x3FB6];
	_ =	sdelay $0x3  }
0x33: {  	p0 =	seq.s32 s10, $0x1;
	s10 =	sld [smem:$0x3FB8];
	_ =	sdelay $0x3  }
0x34: {  	[smem:$0x3FB8] =	sst s10  }
0x35: {  	s10 =	sld [smem:$0x3FB7];
	_ =	sdelay $0x3  }
0x36: {  	p1 =	seq.s32 s10, $0x1;
	s10 =	sld [smem:$0x3FB8];
	_ =	sdelay $0x3  }
0x37: {  	[smem:$0x3FB8] =	sst s10  }
0x38: {  	s10 =	sld [smem:$0x3FB9]  }
0x39: {  	_ = 	snop;
	(pc) =	sbr.ind lr, $3  }
0x3a: {  	_ = 	snop  }
0x3b: {  	_ = 	snop  }
0x3c: {  	p2 =	seq.s32 s10, $0x1;
	s10 =	sld [smem:$0x3FB8]  }
0x3d: {  	_ =	shalt  }
0x3e: {  	_ =	shalt  }
0x3f: {  	_ =	shalt  }
0x40: {  	_ =	shalt  }
0x41: {  	_ =	shalt  }
0x42: {  	_ =	shalt  }
0x43: {  	_ =	shalt  }
0x44: {  	_ =	shalt  }
0x45: {  	_ =	shalt  }
0x46: {  	_ =	shalt  }
0x47: {  	_ =	shalt  }
0x48: {  	_ =	shalt  }
0x49: {  	_ =	shalt  }
0x4a: {  	_ =	shalt  }
0x4b: {  	_ =	shalt  }
0x4c: {  	_ =	shalt  }
0x4d: {  	_ =	shalt  }
0x4e: {  	_ =	shalt  }
0x4f: {  	_ =	shalt  }
0x50: {  	_ =	shalt  }
0x51: {  	_ =	shalt  }
0x52: {  	_ =	shalt  }
0x53: {  	_ =	shalt  }
0x54: {  	_ =	shalt  }
0x55: {  	_ =	shalt  }
0x56: {  	_ =	shalt  }
0x57: {  	_ =	shalt  }
0x58: {  	_ =	shalt  }
0x59: {  	_ =	shalt  }
0x5a: {  	_ =	shalt  }
0x5b: {  	_ =	shalt  }
0x5c: {  	_ =	shalt  }
0x5d: {  	_ =	shalt  }
0x5e: {  	_ =	shalt  }
0x5f: {  	_ =	shalt  }
0x60: {  	_ =	shalt  }
0x61: {  	_ =	shalt  }
0x62: {  	_ =	shalt  }
0x63: {  	_ =	shalt  }
0x64: {  	_ =	shalt  }
0x65: {  	_ =	shalt  }
0x66: {  	_ =	shalt  }
0x67: {  	_ =	shalt  }
0x68: {  	_ =	shalt  }
0x69: {  	_ =	shalt  }
0x6a: {  	_ =	shalt  }
0x6b: {  	_ =	shalt  }
0x6c: {  	_ =	shalt  }
0x6d: {  	_ =	shalt  }
0x6e: {  	_ =	shalt  }
0x6f: {  	_ =	shalt  }
0x70: {  	_ =	shalt  }
0x71: {  	_ =	shalt  }
0x72: {  	_ =	shalt  }
0x73: {  	_ =	shalt  }
0x74: {  	_ =	shalt  }
0x75: {  	_ =	shalt  }
0x76: {  	_ =	shalt  }
0x77: {  	_ =	shalt  }
0x78: {  	_ =	shalt  }
0x79: {  	_ =	shalt  }
0x7a: {  	_ =	shalt  }
0x7b: {  	_ =	shalt  }
0x7c: {  	_ =	shalt  }
0x7d: {  	_ =	shalt  }
0x7e: {  	_ =	shalt  }
0x7f: {  	_ =	shalt  }
0x80: {  	_ =	shalt  }
0x81: {  	_ =	shalt  }
0x82: {  	_ =	shalt  }
0x83: {  	_ =	shalt  }
0x84: {  	_ =	shalt  }
0x85: {  	_ =	shalt  }
0x86: {  	_ =	shalt  }
0x87: {  	_ =	shalt  }
.Lfunc_end0:
.L_simem_size_0:
called_computation.2_lowered:
.L_overlay_start_0:
0x88: {  	s2 =	sld [smem:$0x3FD9]  }
0x89: {  	s3 =	sld [smem:$0x3FFE];
	_ =	sdelay $0x1  }
0x8a: {  	s1 =	srdreg.scid  }
0x8b: {  	s0 =	sand.u32 $0x1, s1  }
0x8c: {  	s16 =	sshll.u32 s0, $0xA;
	s2 =	sadd.s32 s3, s2  }
0x8d: {  	s2 =	sadd.s32 s2, s16  }
0x8e: {  	[smem:$0x3FC4] =	sst s2  }
0x8f: {  	_ = 	snop  }
0x90: {  	(tm) =	ssettm $0x1  }
0x91: {  	s17 =	sld [smem:$0x3FFB];
	_ =	sdelay $0x3  }
0x92: {  	_ =	strace s17  }
0x93: {  	s2 =	sld [smem:$0x3FFC];
	_ =	sdelay $0x3  }
0x94: {  	_ =	strace s2  }
0x95: {  	s2 =	sld [smem:$0x3FFD];
	_ =	sdelay $0x3  }
0x96: {  	_ =	strace s2  }
0x97: {  	_ =	strace $0x8FFFFFFF  }
0x98: {  	s18 =	sld [smem:$0x3FDB];
	_ =	sdelay $0x1  }
0x99: {  	s19 =	simm.s32 $_scs_section_size  }
0x9a: {  	s4 =	simm.s32 $_size__tile_overlayer_lowered;
	s5 =	simm.s32 $_tile_overlayer_lowered  }
0x9b: {  	s22 =	simm.s32 $0x1BFF;
	s21 =	sshll.u32 s5, $0x1;
	s2 =	sadd.s32 s19, s18  }
0x9c: {  	s6 =	simm.s32 $0x0;
	s20 =	sshll.u32 s4, $0x1;
	s4 =	sadd.s32 s21, s2  }
0x9d: {  	[timem:s6], [sflag:s22] =	dma.local [hbm:s4], s20  }
0x9e: {  	_ =	swait.ge [sflag:s22], s20  }
0x9f: {  	s3 =	ssub.s32 $0x0, s20;
	[sflag:s22] =	ssyncset.done $0x0  }
0xa0: {  	[sflag:s22] =	ssyncadd.s32 s3;
	_ =	sdelay $0x1  }
0xa1: {  	s23 =	simm.s32 $0x1B8B  }
0xa2: {  	_ =	swait.ge [sflag:s23], $0x1  }
0xa3: {  	[sflag:s23] =	ssyncset.done $0x0  }
0xa4: {  	s25 =	simm.s32 $0x1B8E;
	s24 =	sld [smem:$0x3FFE];
	[sflag:s23] =	ssyncadd.s32 $0xFFFFFFFF  }
0xa5: {  	s26 =	simm.s32 $execute0_lowered;
	[smem:$0x3FD2] =	sst s25  }
0xa6: {  	s4 =	sshll.u32 s26, $0x1;
	_ =	strace $0x8000004C;
	[dreg:$0x1] =	wrdreg $0xFFFFFFFF  }
0xa7: {  	s28 =	simm.s32 $_size_execute0_lowered;
	s2 =	sadd.s32 s2, s4;
	[dreg:$0x0] =	wrdreg $0x0  }
0xa8: {  	s4 =	sshll.u32 s28, $0x1;
	[dreg:$0x2] =	wrdreg s2  }
0xa9: {  	[dreg:$0x3] =	wrdreg s4  }
0xaa: {  	[dreg:$0x4] =	wrdreg $0xC0  }
0xab: {  	_ =	task [dreg:s6], $0x5FFFF  }
0xac: {  	[dreg:$0x1] =	wrdreg $0xFFFFFFFF  }
0xad: {  	[dreg:$0x0] =	wrdreg $0x60  }
0xae: {  	[dreg:$0x2] =	wrdreg s24  }
0xaf: {  	[dreg:$0x3] =	wrdreg $0x90000  }
0xb0: {  	[dreg:$0x4] =	wrdreg $0xB7800  }
0xb1: {  	[dreg:$0x5] =	wrdreg $0x9  }
0xb2: {  	_ =	task.clear_ibuf [dreg:s6], $0x6FFFF;
	_ =	strace $0x9000004C  }
0xb3: {  	s29 =	simm.s32 $0x9;
	_ =	strace $0x8000004E  }
0xb4: {  	_ =	swait.ge [sflag:s29], $0x1  }
0xb5: {  	[sflag:s29] =	ssyncadd.s32 $0xFFFFFFFF  }
0xb6: {  	_ =	strace $0x9000004E  }
0xb7: {  	_ =	sfence  }
0xb8: {  	s30 =	sld [smem:$0x0];
	_ =	sdelay $0x2  }
0xb9: {  	s31 =	sshll.u32 s1, $0xD;
	s1 =	sshrl.u32 s1, $0x2  }
0xba: {  	s3 =	sand.u32 $0x4000, s31;
	s1 =	sadd.s32 s1, s30  }
0xbb: {  	s0 =	sor.u32 s3, s0;
	s1 =	sshll.u32 s1, $0x11  }
0xbc: {  	s0 =	sor.u32 s1, s0  }
0xbd: {  	s0 =	sadd.s32 $0x8F2B, s0  }
0xbe: {  	[sflag:s0] =	ssyncadd.remote.s32 $0x1  }
0xbf: {  	_ =	sfence.sel $0xFFFF  }
0xc0: {  	[dreg:$0x0] =	wrdreg $0xFFFFFFFF;
	(pc) =	sbr.abs _section_cstart, $3  }
0xc1: {  	[dreg:$0x1] =	wrdreg $0xFFFFFFFF  }
0xc2: {  	_ =	task.clear_ibuf [dreg:s6], $0x2FFFF;
	_ =	strace $0x9FFFFFFF  }
0xc3: {  	(tm) =	ssettm $0x7FFFFFFF  }
tec
execute0_lowered:
.L_overlay_start_1:
0x0: {  	(tag) =	ssettag $0x1  }
0x1: {  	s5 =	rddreg [dreg:$0x0]  }
0x2: {  	s1 =	srdreg.scid;
	s2 =	rddreg [dreg:$0x1]  }
0x3: {  	s0 =	stileid.u32;
	s3 =	rddreg [dreg:$0x2];
	s4 =	simm.s32 $0x0  }
0x4: {  	s12 =	simm.s32 $0x2800;
	s16 =	simm.s32 $0x80;
	s17 =	simm.s32 $0x5000  }
0x5: {  	s18 =	simm.s32 $0x1;
	s19 =	simm.s32 $0x0;
	s6 =	sand.u32 $0x1, s1  }
0x6: {  	s31 =	sshll.u32 s0, $0x1;
	s8 =	smul.u32 $0x13C00, s0;
	[smem:$0x7FF] =	sst s4  }
0x7: {  	s13 =	sshll.u32 s0, $0x6;
	s1 =	sor.u32 s6, s31;
	s9 =	smul.u32 $0x13C000, s6  }
0x8: {  	s6 =	ssub.s32 $0x2, s6;
	s13 =	sor.u32 $0x1C02, s13;
	s7 =	smul.u32 $0x500, s1  }
0x9: {  	s1 =	rddreg [dreg:$0x3];
	_ =	strace $0x8000004D;
	s10 =	sshrl.u32 s8, $0x3  }
0xa: {  	s11 =	sshrl.u32 s6, $0x1;
	s14 =	sadd.s32 s8, s2;
	s15 =	sadd.s32 s8, s3  }
0xb: {  	s9 =	sadd.s32 s8, s9;
	s10 =	sadd.s32 s10, s5;
	s11 =	ssub.s32 s6, s11  }
0xc: {  	s14 =	sshrl.u32 s14, $0x3;
	s15 =	sshrl.u32 s15, $0x3;
	s9 =	sshrl.u32 s9, $0x3  }
0xd: {  	s7 =	sadd.s32 s7, s5;
	s8 =	sadd.s32 $0xC200, s10;
	s9 =	sadd.s32 s9, s5  }
0xe: {  	s5 =	sadd.s32 $0x82A00, s7;
	s6 =	sadd.s32 $0x2200, s7;
	s7 =	sadd.s32 $0x33A00, s10  }
0xf: {  	s10 =	smax.u32 s11, $0x1;
	s11 =	simm.s32 $0x2;
	s9 =	sadd.s32 $0x8CA00, s9  }
.LBB2_1:
0x10: {  	[tilespmem:s4], [sflag:$0x2] =	stream.linear.gather [hbm4b:s5+s4], $0x2780, $0x38;
	[tilespmem:$0xDF00] =	vst v63  }
0x11: {  	_ =	swait.ge [sflag:s11], $0x2780  }
0x12: {  	[sflag:s11] =	ssyncset.done $0x0  }
0x13: {  	[sflag:s11] =	ssyncadd.s32 $0xFFFFD880  }
0x14: {  	[tilespmem:s12], [sflag:$0x2] =	stream.linear.gather [hbm4b:s6+s4], $0x2780, $0x38;
	[tilespmem:$0xDF00] =	vst v63  }
0x15: {  	_ =	swait.ge [sflag:s11], $0x2780  }
0x16: {  	[sflag:s11] =	ssyncset.done $0x0  }
0x17: {  	[sflag:s11] =	ssyncadd.s32 $0xFFFFD880  }
0x18: {  	[spmem:s14], [sflag:s13] =	dma.local [hbm:s7], $0x2780  }
0x19: {  	_ =	swait.ge [sflag:s11], $0x2780  }
0x1a: {  	[sflag:s11] =	ssyncset.done $0x0  }
0x1b: {  	[sflag:s11] =	ssyncadd.s32 $0xFFFFD880  }
0x1c: {  	[spmem:s15], [sflag:s13] =	dma.local [hbm:s8], $0x2780  }
0x1d: {  	_ =	swait.ge [sflag:s11], $0x2780  }
0x1e: {  	[sflag:s11] =	ssyncset.done $0x0  }
0x1f: {  	[sflag:s11] =	ssyncadd.s32 $0xFFFFD880  }
0x20: {  	s20 =	simm.s32 $0x0;
	[bflag:$0x0] =	sbarrier.arrive $0xFFFF  }
0x21: {  	[tilespmem:s17], [sflag:$0x1] =	stream.indirect.gather [spmem:s2], $0x10, s20, s16, $0xb8;
	[tilespmem:$0xDF00] =	vst v63  }
0x22: {  	_ =	swait.ge [sflag:s18], $0x800  }
0x23: {  	[sflag:s18] =	ssyncset.done $0x0  }
0x24: {  	s31 =	simm.s32 $0x2800;
	[sflag:s18] =	ssyncadd.s32 $0xFFFFF800  }
0x25: {  	[spmem:s3] =	stream.indirect.scatter.add.f32 [tilespmem:s17], [sflag:$0x2], $0x10, s31, s16, $0xb8;
	[tilespmem:$0xDF00] =	vst v63  }
0x26: {  	_ =	swait.ge [sflag:s11], $0x800  }
0x27: {  	s21 =	simm.s32 $0x400;
	s20 =	simm.s32 $0x200;
	[sflag:s11] =	ssyncset.done $0x0  }
.LBB2_2:
0x28: {  	s22 =	sshra.s32 s20, $0x2  }
0x29: {  	[sflag:s11] =	ssyncadd.s32 $0xFFFFF800;
	s20 =	smov.u32 s21;
	s23 =	sadd.s32 $0x200, s21  }
0x2a: {  	[tilespmem:s17], [sflag:$0x1] =	stream.indirect.gather [spmem:s2], $0x10, s22, s16, $0xb8;
	[tilespmem:$0xDF00] =	vst v63  }
0x2b: {  	p0 =	sne.s32 s21, $0x9C00;
	_ =	swait.ge [sflag:s18], $0x800  }
.Ltmp0:
0x2c: {  	[sflag:s18] =	ssyncset.done $0x0;
	(pc) =	sbr.rel @p0 .LBB2_2-.Ltmp0, $4  }
0x2d: {  	s21 =	sadd.s32 $0x2800, s22;
	[sflag:s18] =	ssyncadd.s32 $0xFFFFF800  }
0x2e: {  	[spmem:s3] =	stream.indirect.scatter.add.f32 [tilespmem:s17], [sflag:$0x2], $0x10, s21, s16, $0xb8;
	[tilespmem:$0xDF00] =	vst v63  }
0x2f: {  	_ =	swait.ge [sflag:s11], $0x800  }
0x30: {  	s21 =	smov.u32 s23;
	[sflag:s11] =	ssyncset.done $0x0  }
0x31: {  	s20 =	sshra.s32 s20, $0x2;
	[sflag:s11] =	ssyncadd.s32 $0xFFFFF800  }
0x32: {  	[tilespmem:s17], [sflag:$0x1] =	stream.indirect.gather [spmem:s2], $0x10, s20, s16, $0xb8;
	[tilespmem:$0xDF00] =	vst v63  }
0x33: {  	_ =	swait.ge [sflag:s18], $0x800  }
0x34: {  	[sflag:s18] =	ssyncset.done $0x0  }
0x35: {  	s20 =	sadd.s32 $0x2800, s20;
	[sflag:s18] =	ssyncadd.s32 $0xFFFFF800  }
0x36: {  	[spmem:s3] =	stream.indirect.scatter.add.f32 [tilespmem:s17], [sflag:$0x2], $0x10, s20, s16, $0xb8;
	[tilespmem:$0xDF00] =	vst v63  }
0x37: {  	_ =	swait.ge [sflag:s11], $0x800  }
0x38: {  	s19 =	sadd.s32 $0x1, s19;
	[sflag:s11] =	ssyncset.done $0x0  }
0x39: {  	p0 =	sne.s32 s19, s10;
	[sflag:s11] =	ssyncadd.s32 $0xFFFFF800  }
.Ltmp1:
0x3a: {  	[bflag:$0x0] =	sbarrier.arrive $0xFFFF;
	(pc) =	sbr.rel @p0 .LBB2_1-.Ltmp1, $4  }
0x3b: {  	[hbm:s9], [sflag:s13] =	dma.local [spmem:s15], $0x2780  }
0x3c: {  	_ =	swait.ge [sflag:s11], $0x2780  }
0x3d: {  	[sflag:s11] =	ssyncset.done $0x0  }
0x3e: {  	[sflag:s11] =	ssyncadd.s32 $0xFFFFD880  }
0x3f: {  	_ =	sfence.sel $0x180000  }
0x40: {  	[bflag:$0x0] =	sbarrier.arrive $0xFFFF  }
0x41: {  	p0 =	sne.s32 s0, $0x0;
	_ =	strace $0x9000004D  }
0x42: {  	s0 =	sadd.s32 @!p0 $0x100000, s1;
	[bflag:$0x2] =	sbarrier.arrive $0xFFFF  }
0x43: {  	[sflag:s0] =	ssyncadd.tile.s32 @!p0 $0x1;
	_ =	shalt  }
.Lfunc_end2:
_tile_overlayer_lowered:
.L_overlay_start_2:
0x44: {  	(tag) =	ssettag $0x2  }
0x45: {  	s0 =	rddreg [dreg:$0x0];
	s2 =	stileid.u32  }
0x46: {  	s1 =	rddreg [dreg:$0x1];
	p0 =	sne.s32 s2, $0x0  }
0x47: {  	s3 =	rddreg [dreg:$0x2];
	[bflag:$0x3] =	sbarrier.arrive $0xFFFF;
	s2 =	simm.s32 @!p0 $0x1C02  }
0x48: {  	[timem:s3], [sflag:s2] =	dma.local @!p0 [hbm:s0], s1  }
0x49: {  	s0 =	simm.s32 @!p0 $0x2  }
0x4a: {  	_ =	swait.ge @!p0 [sflag:s0], s1  }
0x4b: {  	s1 =	ssub.s32 @!p0 $0x0, s1;
	[sflag:s0] =	ssyncset.done @!p0 $0x0  }
0x4c: {  	[sflag:s0] =	ssyncadd.s32 @!p0 s1  }
0x4d: {  	[bflag:$0x3] =	sbarrier.arrive $0xFFFF  }
0x4e: {  	_ =	shalt  }

// kernel: kernel.9.cloned.1.call-start
scs
__scs_entry_jumppad:
0x0: {  	(pc) =	sbr.rel $0x88, $3  }
0x1: {  	(tag) =	ssettag $0x0;
	lr =	simm.s32 $0x1  }
0x2: {  	[smem:$0x3F9D] =	sst lr;
	_ =	strace $0xD0000000  }
0x3: {  	_ = 	snop  }
0x4: {  	_ = 	snop  }
0x5: {  	_ = 	snop  }
0x6: {  	_ = 	snop  }
0x7: {  	_ = 	snop  }
__scs_overlays_trampoline_lowered:
0x8: {  	[smem:$0x3FAC] =	sst s0  }
0x9: {  	[smem:$0x3FAD] =	sst s1  }
0xa: {  	[smem:$0x3FAE] =	sst s2  }
0xb: {  	[smem:$0x3FAF] =	sst s3  }
0xc: {  	[smem:$0x3FB0] =	sst s4  }
0xd: {  	[smem:$0x3FB1] =	sst s5  }
0xe: {  	[smem:$0x3FB2] =	sst s6  }
0xf: {  	[smem:$0x3FB3] =	sst s7  }
0x10: {  	[smem:$0x3FB4] =	sst s8  }
0x11: {  	[smem:$0x3FB5] =	sst s9;
	s0 =	simm.s32 @!p0 $0x0  }
0x12: {  	s1 =	sld [smem:$0x3F9B];
	s0 =	simm.s32 @p0 $0x1  }
0x13: {  	[smem:$0x3FB6] =	sst s0;
	s0 =	simm.s32 @!p1 $0x0  }
0x14: {  	s2 =	sld [smem:$0x3F9A];
	s0 =	simm.s32 @p1 $0x1  }
0x15: {  	[smem:$0x3FB7] =	sst s0;
	s0 =	simm.s32 @!p2 $0x0  }
0x16: {  	s3 =	sld [smem:$0x3FDB];
	s0 =	simm.s32 @p2 $0x1  }
0x17: {  	s4 =	simm.s32 $0x1BF5;
	[smem:$0x3FB9] =	sst s0  }
0x18: {  	s0 =	sld [smem:$0x3F9C];
	_ =	swait.ge [sflag:s4], $0x0  }
0x19: {  	s7 =	sld [smem:$0x3F9D]  }
0x1a: {  	s8 =	sadd.s32 $0xFFFFE003, lr  }
0x1b: {  	s9 =	sadd.s32 $0xFFFFFEF7, lr;
	s5 =	simm.s32 $0xFFFFFFFF;
	p2 =	slt.u32 s8, $0xFFFFF086  }
0x1c: {  	p1 =	slt.u32 s9, $0xF7A;
	s5 =	simm.s32 @!p2 $0x0  }
0x1d: {  	s5 =	simm.s32 @p1 $0x1;
	p0 =	seq.s32 s7, s2  }
0x1e: {  	s7 =	smul.u32 @!p0 $0xF7A, s2;
	p2 =	seq.s32 @!p0 s5, $0x0  }
0x1f: {  	s9 =	smul.u32 $0xF7A, s1;
	s8 =	simm.s32 @!p0 $0x1BF5;
	p2 =	por !p2, p0  }
0x20: {  	[sflag:s8] =	ssyncset.s32 @!p0 $0xFFFFF086;
	s6 =	sadd.s32 @!p0 s3, s7;
	s7 =	simm.s32 @!p0 $0x108  }
0x21: {  	s3 =	sadd.s32 s3, s9;
	s6 =	sadd.s32 @!p0 $0x88, s6;
	s7 =	simm.s32 @p2 $0x1082  }
0x22: {  	[simem:s7], [sflag:s8] =	dma.local @!p0 [hbm:s6], $0xF7A  }
0x23: {  	s9 =	sor.u32 $0xD0000000, s2;
	s6 =	simm.s32 $0x108;
	_ =	swait.ge @!p0 [sflag:s8], $0x0  }
0x24: {  	s3 =	sadd.s32 $0x88, s3;
	s6 =	simm.s32 @!p1 $0x1082;
	[sflag:s4] =	ssyncset.s32 $0xFFFFF086  }
0x25: {  	[simem:s6], [sflag:s4] =	dma.local [hbm:s3], $0xF7A  }
0x26: {  	[smem:$0x3F9D] =	sst s1;
	(tag) =	ssettag s2;
	_ =	strace s9  }
0x27: {  	s1 =	sld [smem:$0x3FAD]  }
0x28: {  	s2 =	sld [smem:$0x3FAE]  }
0x29: {  	s4 =	sld [smem:$0x3FB0]  }
0x2a: {  	p0 =	seq.s32 s5, $0x0;
	s5 =	sld [smem:$0x3FB1]  }
0x2b: {  	s6 =	sld [smem:$0x3FB2]  }
0x2c: {  	s7 =	sld [smem:$0x3FB3]  }
0x2d: {  	s3 =	simm.s32 $0x108;
	s8 =	sld [smem:$0x3FB4]  }
0x2e: {  	s3 =	simm.s32 @!p0 $0x1082;
	s9 =	sld [smem:$0x3FB5]  }
0x2f: {  	lr =	sadd.s32 s0, s3;
	s0 =	sld [smem:$0x3FAC]  }
0x30: {  	s3 =	sld [smem:$0x3FAF]  }
0x31: {  	[smem:$0x3FB8] =	sst s10  }
0x32: {  	s10 =	sld [smem:$0x3FB6];
	_ =	sdelay $0x3  }
0x33: {  	p0 =	seq.s32 s10, $0x1;
	s10 =	sld [smem:$0x3FB8];
	_ =	sdelay $0x3  }
0x34: {  	[smem:$0x3FB8] =	sst s10  }
0x35: {  	s10 =	sld [smem:$0x3FB7];
	_ =	sdelay $0x3  }
0x36: {  	p1 =	seq.s32 s10, $0x1;
	s10 =	sld [smem:$0x3FB8];
	_ =	sdelay $0x3  }
0x37: {  	[smem:$0x3FB8] =	sst s10  }
0x38: {  	s10 =	sld [smem:$0x3FB9]  }
0x39: {  	_ = 	snop;
	(pc) =	sbr.ind lr, $3  }
0x3a: {  	_ = 	snop  }
0x3b: {  	_ = 	snop  }
0x3c: {  	p2 =	seq.s32 s10, $0x1;
	s10 =	sld [smem:$0x3FB8]  }
0x3d: {  	_ =	shalt  }
0x3e: {  	_ =	shalt  }
0x3f: {  	_ =	shalt  }
0x40: {  	_ =	shalt  }
0x41: {  	_ =	shalt  }
0x42: {  	_ =	shalt  }
0x43: {  	_ =	shalt  }
0x44: {  	_ =	shalt  }
0x45: {  	_ =	shalt  }
0x46: {  	_ =	shalt  }
0x47: {  	_ =	shalt  }
0x48: {  	_ =	shalt  }
0x49: {  	_ =	shalt  }
0x4a: {  	_ =	shalt  }
0x4b: {  	_ =	shalt  }
0x4c: {  	_ =	shalt  }
0x4d: {  	_ =	shalt  }
0x4e: {  	_ =	shalt  }
0x4f: {  	_ =	shalt  }
0x50: {  	_ =	shalt  }
0x51: {  	_ =	shalt  }
0x52: {  	_ =	shalt  }
0x53: {  	_ =	shalt  }
0x54: {  	_ =	shalt  }
0x55: {  	_ =	shalt  }
0x56: {  	_ =	shalt  }
0x57: {  	_ =	shalt  }
0x58: {  	_ =	shalt  }
0x59: {  	_ =	shalt  }
0x5a: {  	_ =	shalt  }
0x5b: {  	_ =	shalt  }
0x5c: {  	_ =	shalt  }
0x5d: {  	_ =	shalt  }
0x5e: {  	_ =	shalt  }
0x5f: {  	_ =	shalt  }
0x60: {  	_ =	shalt  }
0x61: {  	_ =	shalt  }
0x62: {  	_ =	shalt  }
0x63: {  	_ =	shalt  }
0x64: {  	_ =	shalt  }
0x65: {  	_ =	shalt  }
0x66: {  	_ =	shalt  }
0x67: {  	_ =	shalt  }
0x68: {  	_ =	shalt  }
0x69: {  	_ =	shalt  }
0x6a: {  	_ =	shalt  }
0x6b: {  	_ =	shalt  }
0x6c: {  	_ =	shalt  }
0x6d: {  	_ =	shalt  }
0x6e: {  	_ =	shalt  }
0x6f: {  	_ =	shalt  }
0x70: {  	_ =	shalt  }
0x71: {  	_ =	shalt  }
0x72: {  	_ =	shalt  }
0x73: {  	_ =	shalt  }
0x74: {  	_ =	shalt  }
0x75: {  	_ =	shalt  }
0x76: {  	_ =	shalt  }
0x77: {  	_ =	shalt  }
0x78: {  	_ =	shalt  }
0x79: {  	_ =	shalt  }
0x7a: {  	_ =	shalt  }
0x7b: {  	_ =	shalt  }
0x7c: {  	_ =	shalt  }
0x7d: {  	_ =	shalt  }
0x7e: {  	_ =	shalt  }
0x7f: {  	_ =	shalt  }
0x80: {  	_ =	shalt  }
0x81: {  	_ =	shalt  }
0x82: {  	_ =	shalt  }
0x83: {  	_ =	shalt  }
0x84: {  	_ =	shalt  }
0x85: {  	_ =	shalt  }
0x86: {  	_ =	shalt  }
0x87: {  	_ =	shalt  }
.Lfunc_end0:
.L_simem_size_0:
called_computation_lowered:
.L_overlay_start_0:
0x88: {  	s2 =	sld [smem:$0x3FD9]  }
0x89: {  	s3 =	sld [smem:$0x3FFE];
	_ =	sdelay $0x1  }
0x8a: {  	s1 =	srdreg.scid  }
0x8b: {  	s0 =	sand.u32 $0x1, s1  }
0x8c: {  	s17 =	sshll.u32 s0, $0xA;
	s2 =	sadd.s32 s3, s2  }
0x8d: {  	s2 =	sadd.s32 s2, s17  }
0x8e: {  	[smem:$0x3FC4] =	sst s2  }
0x8f: {  	_ = 	snop  }
0x90: {  	s2 =	sld [smem:$0x3FD0];
	(tm) =	ssettm $0x1  }
0x91: {  	s18 =	sld [smem:$0x3FFB];
	_ =	sdelay $0x3  }
0x92: {  	_ =	strace s18  }
0x93: {  	s3 =	sld [smem:$0x3FFC];
	_ =	sdelay $0x3  }
0x94: {  	_ =	strace s3  }
0x95: {  	s3 =	sld [smem:$0x3FFD];
	_ =	sdelay $0x3  }
0x96: {  	_ =	strace s3  }
0x97: {  	_ =	strace $0x8FFFFFFF  }
0x98: {  	s19 =	sld [smem:$0x3FDB];
	_ =	sdelay $0x1  }
0x99: {  	s4 =	simm.s32 $_scs_section_size  }
0x9a: {  	s5 =	simm.s32 $_size__tile_overlayer_lowered;
	s6 =	simm.s32 $_tile_overlayer_lowered  }
0x9b: {  	s22 =	simm.s32 $0x1BFF;
	s21 =	sshll.u32 s6, $0x1;
	s3 =	sadd.s32 s4, s19  }
0x9c: {  	s7 =	simm.s32 $0x0;
	s20 =	sshll.u32 s5, $0x1;
	s5 =	sadd.s32 s21, s3  }
0x9d: {  	[timem:s7], [sflag:s22] =	dma.local [hbm:s5], s20  }
0x9e: {  	_ =	swait.ge [sflag:s22], s20  }
0x9f: {  	s4 =	ssub.s32 $0x0, s20;
	[sflag:s22] =	ssyncset.done $0x0  }
0xa0: {  	[sflag:s22] =	ssyncadd.s32 s4;
	_ =	sdelay $0x1  }
0xa1: {  	s23 =	simm.s32 $0x1B8B  }
0xa2: {  	_ =	swait.ge [sflag:s23], $0x1  }
0xa3: {  	[sflag:s23] =	ssyncset.done $0x0  }
0xa4: {  	s25 =	simm.s32 $0x1B8E;
	s24 =	sld [smem:$0x3FFE];
	[sflag:s23] =	ssyncadd.s32 $0xFFFFFFFF  }
0xa5: {  	s26 =	simm.s32 $execute0_lowered;
	[smem:$0x3FD2] =	sst s25  }
0xa6: {  	s5 =	sshll.u32 s26, $0x1;
	_ =	strace $0x80000046;
	[dreg:$0x1] =	wrdreg $0xFFFFFFFF  }
0xa7: {  	s28 =	simm.s32 $_size_execute0_lowered;
	s3 =	sadd.s32 s3, s5;
	[dreg:$0x0] =	wrdreg $0x0  }
0xa8: {  	s5 =	sshll.u32 s28, $0x1;
	[dreg:$0x2] =	wrdreg s3  }
0xa9: {  	[dreg:$0x3] =	wrdreg s5  }
0xaa: {  	[dreg:$0x4] =	wrdreg $0xC0  }
0xab: {  	_ =	task [dreg:s7], $0x5FFFF  }
0xac: {  	[dreg:$0x1] =	wrdreg $0xFFFFFFFF  }
0xad: {  	[dreg:$0x0] =	wrdreg $0x60  }
0xae: {  	[dreg:$0x2] =	wrdreg s24  }
0xaf: {  	[dreg:$0x3] =	wrdreg s2  }
0xb0: {  	[dreg:$0x4] =	wrdreg $0x68000  }
0xb1: {  	[dreg:$0x5] =	wrdreg $0x9  }
0xb2: {  	_ =	task.clear_ibuf [dreg:s7], $0x6FFFF;
	_ =	strace $0x90000046  }
0xb3: {  	s29 =	simm.s32 $0x9;
	_ =	strace $0x80000048  }
0xb4: {  	_ =	swait.ge [sflag:s29], $0x1  }
0xb5: {  	[sflag:s29] =	ssyncadd.s32 $0xFFFFFFFF  }
0xb6: {  	_ =	strace $0x90000048  }
0xb7: {  	_ =	sfence  }
0xb8: {  	s30 =	sld [smem:$0x0];
	_ =	sdelay $0x2  }
0xb9: {  	s31 =	sshll.u32 s1, $0xD;
	s1 =	sshrl.u32 s1, $0x2  }
0xba: {  	s3 =	sand.u32 $0x4000, s31;
	s1 =	sadd.s32 s1, s30  }
0xbb: {  	s0 =	sor.u32 s3, s0;
	s1 =	sshll.u32 s1, $0x11  }
0xbc: {  	s0 =	sor.u32 s1, s0  }
0xbd: {  	s0 =	sadd.s32 $0x8F2B, s0  }
0xbe: {  	[sflag:s0] =	ssyncadd.remote.s32 $0x1  }
0xbf: {  	_ =	sfence.sel $0xFFFF  }
0xc0: {  	[dreg:$0x0] =	wrdreg $0xFFFFFFFF;
	(pc) =	sbr.abs _section_cstart, $3  }
0xc1: {  	[dreg:$0x1] =	wrdreg $0xFFFFFFFF  }
0xc2: {  	_ =	task.clear_ibuf [dreg:s7], $0x2FFFF;
	_ =	strace $0x9FFFFFFF  }
0xc3: {  	(tm) =	ssettm $0x7FFFFFFF  }
tec
execute0_lowered:
.L_overlay_start_1:
0x0: {  	(tag) =	ssettag $0x1  }
0x1: {  	s5 =	rddreg [dreg:$0x0]  }
0x2: {  	s1 =	srdreg.scid;
	s2 =	rddreg [dreg:$0x1]  }
0x3: {  	s0 =	stileid.u32;
	s3 =	rddreg [dreg:$0x2]  }
0x4: {  	s4 =	simm.s32 $0x0;
	s13 =	simm.s32 $0x80;
	s14 =	simm.s32 $0x0  }
0x5: {  	s6 =	sand.u32 $0x1, s1;
	s28 =	sshll.u32 s0, $0x1;
	s8 =	smul.u32 $0x13C00, s0  }
0x6: {  	[smem:$0x7FF] =	sst s4;
	s29 =	smul.u32 $0x4F000, s0;
	s31 =	sshll.u32 s0, $0x6  }
0x7: {  	s1 =	sor.u32 s6, s28;
	s9 =	smul.u32 $0x13C000, s6;
	s6 =	ssub.s32 $0x2, s6  }
0x8: {  	s7 =	smul.u32 $0x500, s1;
	s1 =	rddreg [dreg:$0x3];
	_ =	strace $0x80000047  }
0x9: {  	s10 =	sshrl.u32 s8, $0x3;
	s11 =	sshrl.u32 s6, $0x1;
	s30 =	sshrl.u32 s29, $0x2  }
0xa: {  	s8 =	sadd.s32 s8, s9;
	s10 =	sadd.s32 s10, s5;
	s11 =	ssub.s32 s6, s11  }
0xb: {  	s12 =	sadd.s32 s30, s3;
	s9 =	simm.s32 $0x1;
	s7 =	sadd.s32 s7, s5  }
0xc: {  	s8 =	sshrl.u32 s8, $0x3;
	s6 =	sadd.s32 $0xC200, s10;
	s10 =	simm.s32 $0x2800  }
0xd: {  	s12 =	sshrl.u32 s12, $0x3;
	s8 =	sadd.s32 s8, s5;
	s5 =	sadd.s32 $0x2200, s7  }
0xe: {  	s7 =	sadd.s32 $0x33A00, s8;
	s8 =	smax.u32 s11, $0x1;
	s11 =	sor.u32 $0x1C01, s31  }
.LBB2_1:
0xf: {  	[tilespmem:s4], [sflag:$0x1] =	stream.linear.gather [hbm4b:s5+s4], $0x2780, $0x38;
	[tilespmem:$0x8F80] =	vst v63  }
0x10: {  	_ =	swait.ge [sflag:s9], $0x2780  }
0x11: {  	[sflag:s9] =	ssyncset.done $0x0  }
0x12: {  	[sflag:s9] =	ssyncadd.s32 $0xFFFFD880  }
0x13: {  	[tilespmem:s10], [sflag:$0x1] =	stream.linear.gather [hbm4b:s2+s4], $0x4000, $0x38;
	[tilespmem:$0x8F80] =	vst v63  }
0x14: {  	_ =	swait.ge [sflag:s9], $0x4000  }
0x15: {  	[sflag:s9] =	ssyncset.done $0x0  }
0x16: {  	[sflag:s9] =	ssyncadd.s32 $0xFFFFC000  }
0x17: {  	[spmem:s12], [sflag:s11] =	dma.local [hbm:s6], $0x2780  }
0x18: {  	_ =	swait.ge [sflag:s9], $0x2780  }
0x19: {  	[sflag:s9] =	ssyncset.done $0x0  }
0x1a: {  	[sflag:s9] =	ssyncadd.s32 $0xFFFFD880  }
0x1b: {  	s15 =	simm.s32 $0x0;
	[bflag:$0x0] =	sbarrier.arrive $0xFFFF  }
0x1c: {  	[spmem:s3] =	stream.indirect.scatter.add.f32 [tilespmem:s10], [sflag:$0x1], $0x10, s15, s13, $0xb8;
	[tilespmem:$0x8F80] =	vst v63  }
0x1d: {  	_ =	swait.ge [sflag:s9], $0x800  }
0x1e: {  	s15 =	simm.s32 $0x200;
	[sflag:s9] =	ssyncset.done $0x0  }
.LBB2_2:
0x1f: {  	s16 =	sshra.s32 s15, $0x2;
	[sflag:s9] =	ssyncadd.s32 $0xFFFFF800;
	p0 =	sne.s32 s15, $0x9C00  }
0x20: {  	[spmem:s3] =	stream.indirect.scatter.add.f32 [tilespmem:s10], [sflag:$0x1], $0x10, s16, s13, $0xb8;
	[tilespmem:$0x8F80] =	vst v63  }
.Ltmp0:
0x21: {  	_ = 	snop;
	(pc) =	sbr.rel @p0 .LBB2_2-.Ltmp0, $4  }
0x22: {  	_ = 	snop  }
0x23: {  	s15 =	sadd.s32 $0x200, s15  }
0x24: {  	_ =	swait.ge [sflag:s9], $0x800  }
0x25: {  	[sflag:s9] =	ssyncset.done $0x0  }
0x26: {  	s14 =	sadd.s32 $0x1, s14  }
0x27: {  	[sflag:s9] =	ssyncadd.s32 $0xFFFFF800;
	p0 =	sne.s32 s14, s8  }
.Ltmp1:
0x28: {  	[bflag:$0x0] =	sbarrier.arrive $0xFFFF;
	(pc) =	sbr.rel @p0 .LBB2_1-.Ltmp1, $4  }
0x29: {  	[hbm:s7], [sflag:s11] =	dma.local [spmem:s12], $0x2780  }
0x2a: {  	_ =	swait.ge [sflag:s9], $0x2780  }
0x2b: {  	[sflag:s9] =	ssyncset.done $0x0  }
0x2c: {  	[sflag:s9] =	ssyncadd.s32 $0xFFFFD880  }
0x2d: {  	_ =	sfence.sel $0x180000  }
0x2e: {  	[bflag:$0x0] =	sbarrier.arrive $0xFFFF  }
0x2f: {  	p0 =	sne.s32 s0, $0x0;
	_ =	strace $0x90000047  }
0x30: {  	s0 =	sadd.s32 @!p0 $0x100000, s1;
	[bflag:$0x2] =	sbarrier.arrive $0xFFFF  }
0x31: {  	[sflag:s0] =	ssyncadd.tile.s32 @!p0 $0x1;
	_ =	shalt  }
.Lfunc_end2:
_tile_overlayer_lowered:
.L_overlay_start_2:
0x32: {  	(tag) =	ssettag $0x2  }
0x33: {  	s0 =	rddreg [dreg:$0x0];
	s2 =	stileid.u32  }
0x34: {  	s1 =	rddreg [dreg:$0x1];
	p0 =	sne.s32 s2, $0x0  }
0x35: {  	s3 =	rddreg [dreg:$0x2];
	[bflag:$0x3] =	sbarrier.arrive $0xFFFF;
	s2 =	simm.s32 @!p0 $0x1C01  }
0x36: {  	[timem:s3], [sflag:s2] =	dma.local @!p0 [hbm:s0], s1  }
0x37: {  	s0 =	simm.s32 @!p0 $0x1  }
0x38: {  	_ =	swait.ge @!p0 [sflag:s0], s1  }
0x39: {  	s1 =	ssub.s32 @!p0 $0x0, s1;
	[sflag:s0] =	ssyncset.done @!p0 $0x0  }
0x3a: {  	[sflag:s0] =	ssyncadd.s32 @!p0 s1  }
0x3b: {  	[bflag:$0x3] =	sbarrier.arrive $0xFFFF  }
0x3c: {  	_ =	shalt  }

</sc_bundles>
